<compile_context>
chip_gen: v7x
topology: tpu7x:2x2x1
jax: 0.10.2.dev20260603
libtpu: 0.0.44.dev20260713+nightly
codegen_flags: <defaults>
</compile_context>

<pallas_src>
import functools

import jax
import jax.numpy as jnp
from jax import lax
from jax.experimental import pallas as pl
from jax.experimental.pallas import tpu as pltpu
from jax.experimental.pallas import tpu_sc as plsc
from jax._src.pallas import mpmd as _mpmd

B, T, S, V = 8, 32, 200, 100000
NROWS = B * T

NC, NS = 2, 16
NW = NC * NS
PER_W = (B * T * S) // NW
NCHUNK = 16
CHUNK = PER_W // NCHUNK

def _sc_mesh():
    return plsc.VectorSubcoreMesh(
        core_axis_name="c",
        subcore_axis_name="s",
        num_cores=NC,
        num_subcores=NS,
    )


def _worker_id():
    return lax.axis_index("s") * NC + lax.axis_index("c")


@functools.cache
def _make_sc_gather():
    @functools.partial(
        pl.kernel,
        out_type=jax.ShapeDtypeStruct((NW, NCHUNK, CHUNK), jnp.float32),
        mesh=_sc_mesh(),
        scratch_types=[
            pltpu.VMEM((NCHUNK, CHUNK), jnp.int32),
            pltpu.VMEM((NCHUNK, CHUNK), jnp.float32),
            pltpu.SemaphoreType.DMA,
        ],
    )
    def _sc_gather(x_hbm, pos_hbm, g_hbm, idx_v, val_v, sem):
        wid = _worker_id()
        pltpu.sync_copy(pos_hbm.at[wid], idx_v)
        copies = [
            pltpu.async_copy(x_hbm.at[idx_v.at[j]], val_v.at[j], sem)
            for j in range(NCHUNK)
        ]
        for c in copies:
            c.wait()
        pltpu.sync_copy(val_v, g_hbm.at[wid])

    return _sc_gather


@functools.cache
def _make_sc_scatter():
    def _sc_scatter_body(y_in, pos_hbm, new_hbm, y_out, idx_v, val_v, sem):
        del y_in
        wid = _worker_id()
        pltpu.sync_copy(pos_hbm.at[wid], idx_v)
        pltpu.sync_copy(new_hbm.at[wid], val_v)
        copies = [
            pltpu.async_copy(val_v.at[j], y_out.at[idx_v.at[j]], sem)
            for j in range(NCHUNK)
        ]
        for c in copies:
            c.wait()

    return _mpmd._mpmd_map(
        [(_sc_mesh(), _sc_scatter_body)],
        out_types=[jax.ShapeDtypeStruct((NROWS * V,), jnp.float32)],
        input_output_aliases={0: 0},
        scratch_types=[
            pltpu.VMEM((NCHUNK, CHUNK), jnp.int32),
            pltpu.VMEM((NCHUNK, CHUNK), jnp.float32),
            pltpu.SemaphoreType.DMA,
        ],
    )


ROWS_PER_BLK = 16


def _tc_main_body(x_ref, w_ref, b_ref, y_ref, st_ref):
    x = x_ref[...]
    w = w_ref[...]
    m = jnp.max(x, axis=1, keepdims=True)
    e = jnp.exp(x - m)
    sumexp = jnp.sum(e, axis=1, keepdims=True)
    dot = jnp.sum(x * w, axis=1, keepdims=True)
    p = jax.nn.sigmoid(dot + b_ref[0, 0])
    base = (1.0 - p) * (e / sumexp) + 1e-10
    y_ref[...] = jnp.log(base)
    zeros = jnp.zeros((ROWS_PER_BLK, 5), jnp.float32)
    st_ref[...] = jnp.concatenate([m, sumexp, dot, zeros], axis=1)


def _tc_main(x2, w2, b2):
    return pl.pallas_call(
        _tc_main_body,
        grid=(NROWS // ROWS_PER_BLK,),
        in_specs=[
            pl.BlockSpec((ROWS_PER_BLK, V), lambda i: (i, 0)),
            pl.BlockSpec((1, V), lambda i: (0, 0)),
            pl.BlockSpec((1, 1), lambda i: (0, 0)),
        ],
        out_specs=[
            pl.BlockSpec((ROWS_PER_BLK, V), lambda i: (i, 0)),
            pl.BlockSpec((ROWS_PER_BLK, 8), lambda i: (i, 0)),
        ],
        out_shape=[
            jax.ShapeDtypeStruct((NROWS, V), jnp.float32),
            jax.ShapeDtypeStruct((NROWS, 8), jnp.float32),
        ],
    )(x2, w2, b2)


def _tc_fixup_body(g_ref, st_ref, att_ref, src_ref, b_ref, new_ref):
    m = st_ref[:, :, 0:1]
    sumexp = st_ref[:, :, 1:2]
    dot = st_ref[:, :, 2:3]
    p = jax.nn.sigmoid(dot + b_ref[0, 0])
    lane = lax.broadcasted_iota(jnp.int32, (B, T, S), 2)
    copy = jnp.where(lane < S, p * att_ref[...], 0.0)
    src = src_ref[...]
    eq = (src[:, :, None] == src[:, None, :]).astype(jnp.float32)
    totals = []
    for bb in range(B):
        totals.append(
            jnp.dot(copy[bb], eq[bb], preferred_element_type=jnp.float32)
        )
    tot = jnp.stack(totals)
    gen = (1.0 - p) * (jnp.exp(g_ref[...] - m) / sumexp)
    new_ref[...] = jnp.log(gen + tot + 1e-10)


def _tc_fixup(g, st, att, src, b2):
    return pl.pallas_call(
        _tc_fixup_body,
        out_shape=jax.ShapeDtypeStruct((B, T, S), jnp.float32),
    )(g, st, att, src, b2)


def kernel(src, output, attention, W, b):
    src = src.astype(jnp.int32)
    row = jnp.arange(NROWS, dtype=jnp.int32)[:, None] * V
    pos = row + jnp.broadcast_to(src[:, None, :], (B, T, S)).reshape(NROWS, S)
    pos3 = pos.reshape(NW, NCHUNK, CHUNK)

    xflat = output.reshape(-1)
    g3 = _make_sc_gather()(xflat, pos3)

    x2 = output.reshape(NROWS, V)
    w2 = W.reshape(1, V)
    b2 = b.reshape(1, 1)
    y, st = _tc_main(x2, w2, b2)

    g = g3.reshape(B, T, S)
    st_b = st.reshape(B, T, 8)
    newvals = _tc_fixup(g, st_b, attention, src, b2)

    (yflat,) = _make_sc_scatter()(
        y.reshape(-1), pos3, newvals.reshape(NW, NCHUNK, CHUNK)
    )
    return (yflat.reshape(B, T, V), attention)

# --- scband reference (transcript-rebuilt; emitter-appended) ---
"""Pipeline reference for scband-copy-layer-vocab-extend-12137577578576 (READ-ONLY COPY).

The authoritative reference and input builder live on the scoring server;
editing this copy changes nothing except your own understanding.
"""

import jax, jax.numpy as jnp
import numpy as np

B, T, S, V = 8, 32, 200, 100000


def setup_inputs(seed: int = 0) -> dict:
    key = jax.random.key(seed)
    k1, k2, k3, k4 = jax.random.split(key, 4)
    src = jax.random.randint(k1, (B, S), 0, V)
    output = jax.random.normal(k2, (B, T, V), dtype=jnp.float32)
    attention = jax.random.uniform(k3, (B, T, S), dtype=jnp.float32)
    # switch = nn.Linear(num_embeddings, 1): weight [1, V], bias [1]
    W = (jax.random.normal(k4, (1, V), dtype=jnp.float32) * 0.01)
    b = jnp.zeros((1,), dtype=jnp.float32)
    return {"src": src, "output": output, "attention": attention, "W": W, "b": b}


def reference(src, output, attention, W, b):
    # p_pointer = sigmoid(Linear(output))  -> [B, T, 1]
    p_pointer = jax.nn.sigmoid(jnp.einsum('btv,ov->bto', output, W) + b)
    # src values are guaranteed < V, so the dynamic vocab-extension branch is not taken
    generation_scores = (1.0 - p_pointer) * jax.nn.softmax(output, axis=2)
    copy_scores = p_pointer * attention  # [B, T, S]
    # src_ids = src.unsqueeze(1).repeat(1, T, 1) -> [B, T, S]; scatter_add along dim 2
    idx = jnp.broadcast_to(src[:, None, :], (B, T, S)).reshape(B * T, S)
    gen_flat = generation_scores.reshape(B * T, V)
    copy_flat = copy_scores.reshape(B * T, S)
    out_flat = jax.vmap(lambda g, i, c: g.at[i].add(c))(gen_flat, idx, copy_flat)
    out = out_flat.reshape(B, T, V) + 1e-10
    return (jnp.log(out), attention)

if __name__ == "__main__":
    import jax
    _d = setup_inputs()
    print(jax.jit(kernel)(*tuple(_d.values())))

</pallas_src>

<mosaic_0001>
#map = affine_map<(d0, d1) -> (0)>
#map1 = affine_map<(d0, d1) -> (0, 0, 0)>
module attributes {stable_mosaic.version = 14 : i64} {
  func.func @_sc_scatter_body(%arg0: i32, %arg1: i32, %arg2: memref<25600000xf32, #tpu.memory_space<hbm>>, %arg3: memref<32x16x100xi32, #tpu.memory_space<hbm>>, %arg4: memref<32x16x100xf32, #tpu.memory_space<hbm>>, %arg5: memref<25600000xf32, #tpu.memory_space<hbm>>, %arg6: memref<16x100xi32, #tpu.memory_space<vmem>>, %arg7: memref<16x100xf32, #tpu.memory_space<vmem>>, %arg8: memref<!tpu.dma_semaphore, #tpu.memory_space<semaphore_mem>>) attributes {dimension_semantics = [#tpu.dimension_semantics<core_parallel>, #tpu.dimension_semantics<subcore_parallel>], iteration_bounds = array<i64: 2, 16>, scalar_prefetch = 0 : i64, scratch_operands = 3 : i64, tpu.core_type = #tpu.core_type<sc_vector_subcore>, window_params = [{transform_indices = #map}, {transform_indices = #map1}, {transform_indices = #map1}, {transform_indices = #map}]} {
    %mul3A = arith.constant 2 : i32
    %mul3A_0 = arith.muli %arg1, %mul3A : i32
    %add3A = arith.addi %mul3A_0, %arg0 : i32
    "tpu.region"() ({
      %run_scoped3A = tpu.sem_alloc : memref<!tpu.dma_semaphore, #tpu.memory_space<semaphore_mem>>
      %dma_start3A_319 = arith.constant 0 : i32
      %dma_start3A_320 = arith.constant 0 : i32
      %dma_start3A_321 = tpu.memref_slice %arg3[%add3A, %dma_start3A_319, %dma_start3A_320] : memref<32x16x100xi32, #tpu.memory_space<hbm>> -> memref<1x16x100xi32, #tpu.memory_space<hbm>>
      %dma_start3A_322 = tpu.memref_squeeze %dma_start3A_321 : memref<1x16x100xi32, #tpu.memory_space<hbm>> -> memref<16x100xi32, #tpu.memory_space<hbm>>
      %dma_start3A_323 = arith.constant 0 : i32
      %dma_start3A_324 = arith.constant 0 : i32
      %dma_start3A_325 = tpu.memref_slice %arg3[%add3A, %dma_start3A_323, %dma_start3A_324] : memref<32x16x100xi32, #tpu.memory_space<hbm>> -> memref<1x16x100xi32, #tpu.memory_space<hbm>>
      %dma_start3A_326 = tpu.memref_squeeze %dma_start3A_325 : memref<1x16x100xi32, #tpu.memory_space<hbm>> -> memref<16x100xi32, #tpu.memory_space<hbm>>
      tpu.enqueue_dma source(%dma_start3A_326 : memref<16x100xi32, #tpu.memory_space<hbm>>) target(%arg6 : memref<16x100xi32, #tpu.memory_space<vmem>>) target_semaphore(%run_scoped3A : memref<!tpu.dma_semaphore, #tpu.memory_space<semaphore_mem>>)
      %dma_wait3A_327 = arith.constant 0 : i32
      %dma_wait3A_328 = arith.constant 0 : i32
      %dma_wait3A_329 = tpu.memref_slice %arg3[%add3A, %dma_wait3A_327, %dma_wait3A_328] : memref<32x16x100xi32, #tpu.memory_space<hbm>> -> memref<1x16x100xi32, #tpu.memory_space<hbm>>
      %dma_wait3A_330 = tpu.memref_squeeze %dma_wait3A_329 : memref<1x16x100xi32, #tpu.memory_space<hbm>> -> memref<16x100xi32, #tpu.memory_space<hbm>>
      %dma_wait3A_331 = arith.constant 0 : i32
      %dma_wait3A_332 = arith.constant 0 : i32
      %dma_wait3A_333 = tpu.memref_slice %arg3[%add3A, %dma_wait3A_331, %dma_wait3A_332] : memref<32x16x100xi32, #tpu.memory_space<hbm>> -> memref<1x16x100xi32, #tpu.memory_space<hbm>>
      %dma_wait3A_334 = tpu.memref_squeeze %dma_wait3A_333 : memref<1x16x100xi32, #tpu.memory_space<hbm>> -> memref<16x100xi32, #tpu.memory_space<hbm>>
      tpu.wait_dma2 semaphore(%run_scoped3A : memref<!tpu.dma_semaphore, #tpu.memory_space<semaphore_mem>>) src(%dma_wait3A_334 : memref<16x100xi32, #tpu.memory_space<hbm>>) dst(%arg6 : memref<16x100xi32, #tpu.memory_space<vmem>>)
      tpu.yield
    }) : () -> ()
    "tpu.region"() ({
      %run_scoped3A = tpu.sem_alloc : memref<!tpu.dma_semaphore, #tpu.memory_space<semaphore_mem>>
      %dma_start3A_319 = arith.constant 0 : i32
      %dma_start3A_320 = arith.constant 0 : i32
      %dma_start3A_321 = tpu.memref_slice %arg4[%add3A, %dma_start3A_319, %dma_start3A_320] : memref<32x16x100xf32, #tpu.memory_space<hbm>> -> memref<1x16x100xf32, #tpu.memory_space<hbm>>
      %dma_start3A_322 = tpu.memref_squeeze %dma_start3A_321 : memref<1x16x100xf32, #tpu.memory_space<hbm>> -> memref<16x100xf32, #tpu.memory_space<hbm>>
      %dma_start3A_323 = arith.constant 0 : i32
      %dma_start3A_324 = arith.constant 0 : i32
      %dma_start3A_325 = tpu.memref_slice %arg4[%add3A, %dma_start3A_323, %dma_start3A_324] : memref<32x16x100xf32, #tpu.memory_space<hbm>> -> memref<1x16x100xf32, #tpu.memory_space<hbm>>
      %dma_start3A_326 = tpu.memref_squeeze %dma_start3A_325 : memref<1x16x100xf32, #tpu.memory_space<hbm>> -> memref<16x100xf32, #tpu.memory_space<hbm>>
      tpu.enqueue_dma source(%dma_start3A_326 : memref<16x100xf32, #tpu.memory_space<hbm>>) target(%arg7 : memref<16x100xf32, #tpu.memory_space<vmem>>) target_semaphore(%run_scoped3A : memref<!tpu.dma_semaphore, #tpu.memory_space<semaphore_mem>>)
      %dma_wait3A_327 = arith.constant 0 : i32
      %dma_wait3A_328 = arith.constant 0 : i32
      %dma_wait3A_329 = tpu.memref_slice %arg4[%add3A, %dma_wait3A_327, %dma_wait3A_328] : memref<32x16x100xf32, #tpu.memory_space<hbm>> -> memref<1x16x100xf32, #tpu.memory_space<hbm>>
      %dma_wait3A_330 = tpu.memref_squeeze %dma_wait3A_329 : memref<1x16x100xf32, #tpu.memory_space<hbm>> -> memref<16x100xf32, #tpu.memory_space<hbm>>
      %dma_wait3A_331 = arith.constant 0 : i32
      %dma_wait3A_332 = arith.constant 0 : i32
      %dma_wait3A_333 = tpu.memref_slice %arg4[%add3A, %dma_wait3A_331, %dma_wait3A_332] : memref<32x16x100xf32, #tpu.memory_space<hbm>> -> memref<1x16x100xf32, #tpu.memory_space<hbm>>
      %dma_wait3A_334 = tpu.memref_squeeze %dma_wait3A_333 : memref<1x16x100xf32, #tpu.memory_space<hbm>> -> memref<16x100xf32, #tpu.memory_space<hbm>>
      tpu.wait_dma2 semaphore(%run_scoped3A : memref<!tpu.dma_semaphore, #tpu.memory_space<semaphore_mem>>) src(%dma_wait3A_334 : memref<16x100xf32, #tpu.memory_space<hbm>>) dst(%arg7 : memref<16x100xf32, #tpu.memory_space<vmem>>)
      tpu.yield
    }) : () -> ()
    %dma_start3A = arith.constant 0 : i32
    %dma_start3A_1 = arith.constant 0 : i32
    %dma_start3A_2 = arith.constant 0 : i32
    %dma_start3A_3 = tpu.memref_slice %arg7[%dma_start3A, %dma_start3A_2] : memref<16x100xf32, #tpu.memory_space<vmem>> -> memref<1x100xf32, #tpu.memory_space<vmem>>
    %dma_start3A_4 = tpu.memref_squeeze %dma_start3A_3 : memref<1x100xf32, #tpu.memory_space<vmem>> -> memref<100xf32, #tpu.memory_space<vmem>>
    %dma_start3A_5 = arith.constant 0 : i32
    %dma_start3A_6 = tpu.memref_slice %arg6[%dma_start3A_1, %dma_start3A_5] : memref<16x100xi32, #tpu.memory_space<vmem>> -> memref<1x100xi32, #tpu.memory_space<vmem>>
    %dma_start3A_7 = tpu.memref_squeeze %dma_start3A_6 : memref<1x100xi32, #tpu.memory_space<vmem>> -> memref<100xi32, #tpu.memory_space<vmem>>
    %dma_start3A_8 = arith.constant 0 : i32
    %dma_start3A_9 = tpu.memref_slice %arg5[%dma_start3A_8] : memref<25600000xf32, #tpu.memory_space<hbm>> -> memref<25600000xf32, #tpu.memory_space<hbm>>
    tpu.enqueue_indirect_dma source(%dma_start3A_4 : memref<100xf32, #tpu.memory_space<vmem>>) target(%dma_start3A_9 : memref<25600000xf32, #tpu.memory_space<hbm>>) offsets(%dma_start3A_7 : memref<100xi32, #tpu.memory_space<vmem>>) semaphore(%arg8 : memref<!tpu.dma_semaphore, #tpu.memory_space<semaphore_mem>>)
    %dma_start3A_10 = arith.constant 1 : i32
    %dma_start3A_11 = arith.constant 1 : i32
    %dma_start3A_12 = arith.constant 0 : i32
    %dma_start3A_13 = tpu.memref_slice %arg7[%dma_start3A_10, %dma_start3A_12] : memref<16x100xf32, #tpu.memory_space<vmem>> -> memref<1x100xf32, #tpu.memory_space<vmem>>
    %dma_start3A_14 = tpu.memref_squeeze %dma_start3A_13 : memref<1x100xf32, #tpu.memory_space<vmem>> -> memref<100xf32, #tpu.memory_space<vmem>>
    %dma_start3A_15 = arith.constant 0 : i32
    %dma_start3A_16 = tpu.memref_slice %arg6[%dma_start3A_11, %dma_start3A_15] : memref<16x100xi32, #tpu.memory_space<vmem>> -> memref<1x100xi32, #tpu.memory_space<vmem>>
    %dma_start3A_17 = tpu.memref_squeeze %dma_start3A_16 : memref<1x100xi32, #tpu.memory_space<vmem>> -> memref<100xi32, #tpu.memory_space<vmem>>
    %dma_start3A_18 = arith.constant 0 : i32
    %dma_start3A_19 = tpu.memref_slice %arg5[%dma_start3A_18] : memref<25600000xf32, #tpu.memory_space<hbm>> -> memref<25600000xf32, #tpu.memory_space<hbm>>
    tpu.enqueue_indirect_dma source(%dma_start3A_14 : memref<100xf32, #tpu.memory_space<vmem>>) target(%dma_start3A_19 : memref<25600000xf32, #tpu.memory_space<hbm>>) offsets(%dma_start3A_17 : memref<100xi32, #tpu.memory_space<vmem>>) semaphore(%arg8 : memref<!tpu.dma_semaphore, #tpu.memory_space<semaphore_mem>>)
    %dma_start3A_20 = arith.constant 2 : i32
    %dma_start3A_21 = arith.constant 2 : i32
    %dma_start3A_22 = arith.constant 0 : i32
    %dma_start3A_23 = tpu.memref_slice %arg7[%dma_start3A_20, %dma_start3A_22] : memref<16x100xf32, #tpu.memory_space<vmem>> -> memref<1x100xf32, #tpu.memory_space<vmem>>
    %dma_start3A_24 = tpu.memref_squeeze %dma_start3A_23 : memref<1x100xf32, #tpu.memory_space<vmem>> -> memref<100xf32, #tpu.memory_space<vmem>>
    %dma_start3A_25 = arith.constant 0 : i32
    %dma_start3A_26 = tpu.memref_slice %arg6[%dma_start3A_21, %dma_start3A_25] : memref<16x100xi32, #tpu.memory_space<vmem>> -> memref<1x100xi32, #tpu.memory_space<vmem>>
    %dma_start3A_27 = tpu.memref_squeeze %dma_start3A_26 : memref<1x100xi32, #tpu.memory_space<vmem>> -> memref<100xi32, #tpu.memory_space<vmem>>
    %dma_start3A_28 = arith.constant 0 : i32
    %dma_start3A_29 = tpu.memref_slice %arg5[%dma_start3A_28] : memref<25600000xf32, #tpu.memory_space<hbm>> -> memref<25600000xf32, #tpu.memory_space<hbm>>
    tpu.enqueue_indirect_dma source(%dma_start3A_24 : memref<100xf32, #tpu.memory_space<vmem>>) target(%dma_start3A_29 : memref<25600000xf32, #tpu.memory_space<hbm>>) offsets(%dma_start3A_27 : memref<100xi32, #tpu.memory_space<vmem>>) semaphore(%arg8 : memref<!tpu.dma_semaphore, #tpu.memory_space<semaphore_mem>>)
    %dma_start3A_30 = arith.constant 3 : i32
    %dma_start3A_31 = arith.constant 3 : i32
    %dma_start3A_32 = arith.constant 0 : i32
    %dma_start3A_33 = tpu.memref_slice %arg7[%dma_start3A_30, %dma_start3A_32] : memref<16x100xf32, #tpu.memory_space<vmem>> -> memref<1x100xf32, #tpu.memory_space<vmem>>
    %dma_start3A_34 = tpu.memref_squeeze %dma_start3A_33 : memref<1x100xf32, #tpu.memory_space<vmem>> -> memref<100xf32, #tpu.memory_space<vmem>>
    %dma_start3A_35 = arith.constant 0 : i32
    %dma_start3A_36 = tpu.memref_slice %arg6[%dma_start3A_31, %dma_start3A_35] : memref<16x100xi32, #tpu.memory_space<vmem>> -> memref<1x100xi32, #tpu.memory_space<vmem>>
    %dma_start3A_37 = tpu.memref_squeeze %dma_start3A_36 : memref<1x100xi32, #tpu.memory_space<vmem>> -> memref<100xi32, #tpu.memory_space<vmem>>
    %dma_start3A_38 = arith.constant 0 : i32
    %dma_start3A_39 = tpu.memref_slice %arg5[%dma_start3A_38] : memref<25600000xf32, #tpu.memory_space<hbm>> -> memref<25600000xf32, #tpu.memory_space<hbm>>
    tpu.enqueue_indirect_dma source(%dma_start3A_34 : memref<100xf32, #tpu.memory_space<vmem>>) target(%dma_start3A_39 : memref<25600000xf32, #tpu.memory_space<hbm>>) offsets(%dma_start3A_37 : memref<100xi32, #tpu.memory_space<vmem>>) semaphore(%arg8 : memref<!tpu.dma_semaphore, #tpu.memory_space<semaphore_mem>>)
    %dma_start3A_40 = arith.constant 4 : i32
    %dma_start3A_41 = arith.constant 4 : i32
    %dma_start3A_42 = arith.constant 0 : i32
    %dma_start3A_43 = tpu.memref_slice %arg7[%dma_start3A_40, %dma_start3A_42] : memref<16x100xf32, #tpu.memory_space<vmem>> -> memref<1x100xf32, #tpu.memory_space<vmem>>
    %dma_start3A_44 = tpu.memref_squeeze %dma_start3A_43 : memref<1x100xf32, #tpu.memory_space<vmem>> -> memref<100xf32, #tpu.memory_space<vmem>>
    %dma_start3A_45 = arith.constant 0 : i32
    %dma_start3A_46 = tpu.memref_slice %arg6[%dma_start3A_41, %dma_start3A_45] : memref<16x100xi32, #tpu.memory_space<vmem>> -> memref<1x100xi32, #tpu.memory_space<vmem>>
    %dma_start3A_47 = tpu.memref_squeeze %dma_start3A_46 : memref<1x100xi32, #tpu.memory_space<vmem>> -> memref<100xi32, #tpu.memory_space<vmem>>
    %dma_start3A_48 = arith.constant 0 : i32
    %dma_start3A_49 = tpu.memref_slice %arg5[%dma_start3A_48] : memref<25600000xf32, #tpu.memory_space<hbm>> -> memref<25600000xf32, #tpu.memory_space<hbm>>
    tpu.enqueue_indirect_dma source(%dma_start3A_44 : memref<100xf32, #tpu.memory_space<vmem>>) target(%dma_start3A_49 : memref<25600000xf32, #tpu.memory_space<hbm>>) offsets(%dma_start3A_47 : memref<100xi32, #tpu.memory_space<vmem>>) semaphore(%arg8 : memref<!tpu.dma_semaphore, #tpu.memory_space<semaphore_mem>>)
    %dma_start3A_50 = arith.constant 5 : i32
    %dma_start3A_51 = arith.constant 5 : i32
    %dma_start3A_52 = arith.constant 0 : i32
    %dma_start3A_53 = tpu.memref_slice %arg7[%dma_start3A_50, %dma_start3A_52] : memref<16x100xf32, #tpu.memory_space<vmem>> -> memref<1x100xf32, #tpu.memory_space<vmem>>
    %dma_start3A_54 = tpu.memref_squeeze %dma_start3A_53 : memref<1x100xf32, #tpu.memory_space<vmem>> -> memref<100xf32, #tpu.memory_space<vmem>>
    %dma_start3A_55 = arith.constant 0 : i32
    %dma_start3A_56 = tpu.memref_slice %arg6[%dma_start3A_51, %dma_start3A_55] : memref<16x100xi32, #tpu.memory_space<vmem>> -> memref<1x100xi32, #tpu.memory_space<vmem>>
    %dma_start3A_57 = tpu.memref_squeeze %dma_start3A_56 : memref<1x100xi32, #tpu.memory_space<vmem>> -> memref<100xi32, #tpu.memory_space<vmem>>
    %dma_start3A_58 = arith.constant 0 : i32
    %dma_start3A_59 = tpu.memref_slice %arg5[%dma_start3A_58] : memref<25600000xf32, #tpu.memory_space<hbm>> -> memref<25600000xf32, #tpu.memory_space<hbm>>
    tpu.enqueue_indirect_dma source(%dma_start3A_54 : memref<100xf32, #tpu.memory_space<vmem>>) target(%dma_start3A_59 : memref<25600000xf32, #tpu.memory_space<hbm>>) offsets(%dma_start3A_57 : memref<100xi32, #tpu.memory_space<vmem>>) semaphore(%arg8 : memref<!tpu.dma_semaphore, #tpu.memory_space<semaphore_mem>>)
    %dma_start3A_60 = arith.constant 6 : i32
    %dma_start3A_61 = arith.constant 6 : i32
    %dma_start3A_62 = arith.constant 0 : i32
    %dma_start3A_63 = tpu.memref_slice %arg7[%dma_start3A_60, %dma_start3A_62] : memref<16x100xf32, #tpu.memory_space<vmem>> -> memref<1x100xf32, #tpu.memory_space<vmem>>
    %dma_start3A_64 = tpu.memref_squeeze %dma_start3A_63 : memref<1x100xf32, #tpu.memory_space<vmem>> -> memref<100xf32, #tpu.memory_space<vmem>>
    %dma_start3A_65 = arith.constant 0 : i32
    %dma_start3A_66 = tpu.memref_slice %arg6[%dma_start3A_61, %dma_start3A_65] : memref<16x100xi32, #tpu.memory_space<vmem>> -> memref<1x100xi32, #tpu.memory_space<vmem>>
    %dma_start3A_67 = tpu.memref_squeeze %dma_start3A_66 : memref<1x100xi32, #tpu.memory_space<vmem>> -> memref<100xi32, #tpu.memory_space<vmem>>
    %dma_start3A_68 = arith.constant 0 : i32
    %dma_start3A_69 = tpu.memref_slice %arg5[%dma_start3A_68] : memref<25600000xf32, #tpu.memory_space<hbm>> -> memref<25600000xf32, #tpu.memory_space<hbm>>
    tpu.enqueue_indirect_dma source(%dma_start3A_64 : memref<100xf32, #tpu.memory_space<vmem>>) target(%dma_start3A_69 : memref<25600000xf32, #tpu.memory_space<hbm>>) offsets(%dma_start3A_67 : memref<100xi32, #tpu.memory_space<vmem>>) semaphore(%arg8 : memref<!tpu.dma_semaphore, #tpu.memory_space<semaphore_mem>>)
    %dma_start3A_70 = arith.constant 7 : i32
    %dma_start3A_71 = arith.constant 7 : i32
    %dma_start3A_72 = arith.constant 0 : i32
    %dma_start3A_73 = tpu.memref_slice %arg7[%dma_start3A_70, %dma_start3A_72] : memref<16x100xf32, #tpu.memory_space<vmem>> -> memref<1x100xf32, #tpu.memory_space<vmem>>
    %dma_start3A_74 = tpu.memref_squeeze %dma_start3A_73 : memref<1x100xf32, #tpu.memory_space<vmem>> -> memref<100xf32, #tpu.memory_space<vmem>>
    %dma_start3A_75 = arith.constant 0 : i32
    %dma_start3A_76 = tpu.memref_slice %arg6[%dma_start3A_71, %dma_start3A_75] : memref<16x100xi32, #tpu.memory_space<vmem>> -> memref<1x100xi32, #tpu.memory_space<vmem>>
    %dma_start3A_77 = tpu.memref_squeeze %dma_start3A_76 : memref<1x100xi32, #tpu.memory_space<vmem>> -> memref<100xi32, #tpu.memory_space<vmem>>
    %dma_start3A_78 = arith.constant 0 : i32
    %dma_start3A_79 = tpu.memref_slice %arg5[%dma_start3A_78] : memref<25600000xf32, #tpu.memory_space<hbm>> -> memref<25600000xf32, #tpu.memory_space<hbm>>
    tpu.enqueue_indirect_dma source(%dma_start3A_74 : memref<100xf32, #tpu.memory_space<vmem>>) target(%dma_start3A_79 : memref<25600000xf32, #tpu.memory_space<hbm>>) offsets(%dma_start3A_77 : memref<100xi32, #tpu.memory_space<vmem>>) semaphore(%arg8 : memref<!tpu.dma_semaphore, #tpu.memory_space<semaphore_mem>>)
    %dma_start3A_80 = arith.constant 8 : i32
    %dma_start3A_81 = arith.constant 8 : i32
    %dma_start3A_82 = arith.constant 0 : i32
    %dma_start3A_83 = tpu.memref_slice %arg7[%dma_start3A_80, %dma_start3A_82] : memref<16x100xf32, #tpu.memory_space<vmem>> -> memref<1x100xf32, #tpu.memory_space<vmem>>
    %dma_start3A_84 = tpu.memref_squeeze %dma_start3A_83 : memref<1x100xf32, #tpu.memory_space<vmem>> -> memref<100xf32, #tpu.memory_space<vmem>>
    %dma_start3A_85 = arith.constant 0 : i32
    %dma_start3A_86 = tpu.memref_slice %arg6[%dma_start3A_81, %dma_start3A_85] : memref<16x100xi32, #tpu.memory_space<vmem>> -> memref<1x100xi32, #tpu.memory_space<vmem>>
    %dma_start3A_87 = tpu.memref_squeeze %dma_start3A_86 : memref<1x100xi32, #tpu.memory_space<vmem>> -> memref<100xi32, #tpu.memory_space<vmem>>
    %dma_start3A_88 = arith.constant 0 : i32
    %dma_start3A_89 = tpu.memref_slice %arg5[%dma_start3A_88] : memref<25600000xf32, #tpu.memory_space<hbm>> -> memref<25600000xf32, #tpu.memory_space<hbm>>
    tpu.enqueue_indirect_dma source(%dma_start3A_84 : memref<100xf32, #tpu.memory_space<vmem>>) target(%dma_start3A_89 : memref<25600000xf32, #tpu.memory_space<hbm>>) offsets(%dma_start3A_87 : memref<100xi32, #tpu.memory_space<vmem>>) semaphore(%arg8 : memref<!tpu.dma_semaphore, #tpu.memory_space<semaphore_mem>>)
    %dma_start3A_90 = arith.constant 9 : i32
    %dma_start3A_91 = arith.constant 9 : i32
    %dma_start3A_92 = arith.constant 0 : i32
    %dma_start3A_93 = tpu.memref_slice %arg7[%dma_start3A_90, %dma_start3A_92] : memref<16x100xf32, #tpu.memory_space<vmem>> -> memref<1x100xf32, #tpu.memory_space<vmem>>
    %dma_start3A_94 = tpu.memref_squeeze %dma_start3A_93 : memref<1x100xf32, #tpu.memory_space<vmem>> -> memref<100xf32, #tpu.memory_space<vmem>>
    %dma_start3A_95 = arith.constant 0 : i32
    %dma_start3A_96 = tpu.memref_slice %arg6[%dma_start3A_91, %dma_start3A_95] : memref<16x100xi32, #tpu.memory_space<vmem>> -> memref<1x100xi32, #tpu.memory_space<vmem>>
    %dma_start3A_97 = tpu.memref_squeeze %dma_start3A_96 : memref<1x100xi32, #tpu.memory_space<vmem>> -> memref<100xi32, #tpu.memory_space<vmem>>
    %dma_start3A_98 = arith.constant 0 : i32
    %dma_start3A_99 = tpu.memref_slice %arg5[%dma_start3A_98] : memref<25600000xf32, #tpu.memory_space<hbm>> -> memref<25600000xf32, #tpu.memory_space<hbm>>
    tpu.enqueue_indirect_dma source(%dma_start3A_94 : memref<100xf32, #tpu.memory_space<vmem>>) target(%dma_start3A_99 : memref<25600000xf32, #tpu.memory_space<hbm>>) offsets(%dma_start3A_97 : memref<100xi32, #tpu.memory_space<vmem>>) semaphore(%arg8 : memref<!tpu.dma_semaphore, #tpu.memory_space<semaphore_mem>>)
    %dma_start3A_100 = arith.constant 10 : i32
    %dma_start3A_101 = arith.constant 10 : i32
    %dma_start3A_102 = arith.constant 0 : i32
    %dma_start3A_103 = tpu.memref_slice %arg7[%dma_start3A_100, %dma_start3A_102] : memref<16x100xf32, #tpu.memory_space<vmem>> -> memref<1x100xf32, #tpu.memory_space<vmem>>
    %dma_start3A_104 = tpu.memref_squeeze %dma_start3A_103 : memref<1x100xf32, #tpu.memory_space<vmem>> -> memref<100xf32, #tpu.memory_space<vmem>>
    %dma_start3A_105 = arith.constant 0 : i32
    %dma_start3A_106 = tpu.memref_slice %arg6[%dma_start3A_101, %dma_start3A_105] : memref<16x100xi32, #tpu.memory_space<vmem>> -> memref<1x100xi32, #tpu.memory_space<vmem>>
    %dma_start3A_107 = tpu.memref_squeeze %dma_start3A_106 : memref<1x100xi32, #tpu.memory_space<vmem>> -> memref<100xi32, #tpu.memory_space<vmem>>
    %dma_start3A_108 = arith.constant 0 : i32
    %dma_start3A_109 = tpu.memref_slice %arg5[%dma_start3A_108] : memref<25600000xf32, #tpu.memory_space<hbm>> -> memref<25600000xf32, #tpu.memory_space<hbm>>
    tpu.enqueue_indirect_dma source(%dma_start3A_104 : memref<100xf32, #tpu.memory_space<vmem>>) target(%dma_start3A_109 : memref<25600000xf32, #tpu.memory_space<hbm>>) offsets(%dma_start3A_107 : memref<100xi32, #tpu.memory_space<vmem>>) semaphore(%arg8 : memref<!tpu.dma_semaphore, #tpu.memory_space<semaphore_mem>>)
    %dma_start3A_110 = arith.constant 11 : i32
    %dma_start3A_111 = arith.constant 11 : i32
    %dma_start3A_112 = arith.constant 0 : i32
    %dma_start3A_113 = tpu.memref_slice %arg7[%dma_start3A_110, %dma_start3A_112] : memref<16x100xf32, #tpu.memory_space<vmem>> -> memref<1x100xf32, #tpu.memory_space<vmem>>
    %dma_start3A_114 = tpu.memref_squeeze %dma_start3A_113 : memref<1x100xf32, #tpu.memory_space<vmem>> -> memref<100xf32, #tpu.memory_space<vmem>>
    %dma_start3A_115 = arith.constant 0 : i32
    %dma_start3A_116 = tpu.memref_slice %arg6[%dma_start3A_111, %dma_start3A_115] : memref<16x100xi32, #tpu.memory_space<vmem>> -> memref<1x100xi32, #tpu.memory_space<vmem>>
    %dma_start3A_117 = tpu.memref_squeeze %dma_start3A_116 : memref<1x100xi32, #tpu.memory_space<vmem>> -> memref<100xi32, #tpu.memory_space<vmem>>
    %dma_start3A_118 = arith.constant 0 : i32
    %dma_start3A_119 = tpu.memref_slice %arg5[%dma_start3A_118] : memref<25600000xf32, #tpu.memory_space<hbm>> -> memref<25600000xf32, #tpu.memory_space<hbm>>
    tpu.enqueue_indirect_dma source(%dma_start3A_114 : memref<100xf32, #tpu.memory_space<vmem>>) target(%dma_start3A_119 : memref<25600000xf32, #tpu.memory_space<hbm>>) offsets(%dma_start3A_117 : memref<100xi32, #tpu.memory_space<vmem>>) semaphore(%arg8 : memref<!tpu.dma_semaphore, #tpu.memory_space<semaphore_mem>>)
    %dma_start3A_120 = arith.constant 12 : i32
    %dma_start3A_121 = arith.constant 12 : i32
    %dma_start3A_122 = arith.constant 0 : i32
    %dma_start3A_123 = tpu.memref_slice %arg7[%dma_start3A_120, %dma_start3A_122] : memref<16x100xf32, #tpu.memory_space<vmem>> -> memref<1x100xf32, #tpu.memory_space<vmem>>
    %dma_start3A_124 = tpu.memref_squeeze %dma_start3A_123 : memref<1x100xf32, #tpu.memory_space<vmem>> -> memref<100xf32, #tpu.memory_space<vmem>>
    %dma_start3A_125 = arith.constant 0 : i32
    %dma_start3A_126 = tpu.memref_slice %arg6[%dma_start3A_121, %dma_start3A_125] : memref<16x100xi32, #tpu.memory_space<vmem>> -> memref<1x100xi32, #tpu.memory_space<vmem>>
    %dma_start3A_127 = tpu.memref_squeeze %dma_start3A_126 : memref<1x100xi32, #tpu.memory_space<vmem>> -> memref<100xi32, #tpu.memory_space<vmem>>
    %dma_start3A_128 = arith.constant 0 : i32
    %dma_start3A_129 = tpu.memref_slice %arg5[%dma_start3A_128] : memref<25600000xf32, #tpu.memory_space<hbm>> -> memref<25600000xf32, #tpu.memory_space<hbm>>
    tpu.enqueue_indirect_dma source(%dma_start3A_124 : memref<100xf32, #tpu.memory_space<vmem>>) target(%dma_start3A_129 : memref<25600000xf32, #tpu.memory_space<hbm>>) offsets(%dma_start3A_127 : memref<100xi32, #tpu.memory_space<vmem>>) semaphore(%arg8 : memref<!tpu.dma_semaphore, #tpu.memory_space<semaphore_mem>>)
    %dma_start3A_130 = arith.constant 13 : i32
    %dma_start3A_131 = arith.constant 13 : i32
    %dma_start3A_132 = arith.constant 0 : i32
    %dma_start3A_133 = tpu.memref_slice %arg7[%dma_start3A_130, %dma_start3A_132] : memref<16x100xf32, #tpu.memory_space<vmem>> -> memref<1x100xf32, #tpu.memory_space<vmem>>
    %dma_start3A_134 = tpu.memref_squeeze %dma_start3A_133 : memref<1x100xf32, #tpu.memory_space<vmem>> -> memref<100xf32, #tpu.memory_space<vmem>>
    %dma_start3A_135 = arith.constant 0 : i32
    %dma_start3A_136 = tpu.memref_slice %arg6[%dma_start3A_131, %dma_start3A_135] : memref<16x100xi32, #tpu.memory_space<vmem>> -> memref<1x100xi32, #tpu.memory_space<vmem>>
    %dma_start3A_137 = tpu.memref_squeeze %dma_start3A_136 : memref<1x100xi32, #tpu.memory_space<vmem>> -> memref<100xi32, #tpu.memory_space<vmem>>
    %dma_start3A_138 = arith.constant 0 : i32
    %dma_start3A_139 = tpu.memref_slice %arg5[%dma_start3A_138] : memref<25600000xf32, #tpu.memory_space<hbm>> -> memref<25600000xf32, #tpu.memory_space<hbm>>
    tpu.enqueue_indirect_dma source(%dma_start3A_134 : memref<100xf32, #tpu.memory_space<vmem>>) target(%dma_start3A_139 : memref<25600000xf32, #tpu.memory_space<hbm>>) offsets(%dma_start3A_137 : memref<100xi32, #tpu.memory_space<vmem>>) semaphore(%arg8 : memref<!tpu.dma_semaphore, #tpu.memory_space<semaphore_mem>>)
    %dma_start3A_140 = arith.constant 14 : i32
    %dma_start3A_141 = arith.constant 14 : i32
    %dma_start3A_142 = arith.constant 0 : i32
    %dma_start3A_143 = tpu.memref_slice %arg7[%dma_start3A_140, %dma_start3A_142] : memref<16x100xf32, #tpu.memory_space<vmem>> -> memref<1x100xf32, #tpu.memory_space<vmem>>
    %dma_start3A_144 = tpu.memref_squeeze %dma_start3A_143 : memref<1x100xf32, #tpu.memory_space<vmem>> -> memref<100xf32, #tpu.memory_space<vmem>>
    %dma_start3A_145 = arith.constant 0 : i32
    %dma_start3A_146 = tpu.memref_slice %arg6[%dma_start3A_141, %dma_start3A_145] : memref<16x100xi32, #tpu.memory_space<vmem>> -> memref<1x100xi32, #tpu.memory_space<vmem>>
    %dma_start3A_147 = tpu.memref_squeeze %dma_start3A_146 : memref<1x100xi32, #tpu.memory_space<vmem>> -> memref<100xi32, #tpu.memory_space<vmem>>
    %dma_start3A_148 = arith.constant 0 : i32
    %dma_start3A_149 = tpu.memref_slice %arg5[%dma_start3A_148] : memref<25600000xf32, #tpu.memory_space<hbm>> -> memref<25600000xf32, #tpu.memory_space<hbm>>
    tpu.enqueue_indirect_dma source(%dma_start3A_144 : memref<100xf32, #tpu.memory_space<vmem>>) target(%dma_start3A_149 : memref<25600000xf32, #tpu.memory_space<hbm>>) offsets(%dma_start3A_147 : memref<100xi32, #tpu.memory_space<vmem>>) semaphore(%arg8 : memref<!tpu.dma_semaphore, #tpu.memory_space<semaphore_mem>>)
    %dma_start3A_150 = arith.constant 15 : i32
    %dma_start3A_151 = arith.constant 15 : i32
    %dma_start3A_152 = arith.constant 0 : i32
    %dma_start3A_153 = tpu.memref_slice %arg7[%dma_start3A_150, %dma_start3A_152] : memref<16x100xf32, #tpu.memory_space<vmem>> -> memref<1x100xf32, #tpu.memory_space<vmem>>
    %dma_start3A_154 = tpu.memref_squeeze %dma_start3A_153 : memref<1x100xf32, #tpu.memory_space<vmem>> -> memref<100xf32, #tpu.memory_space<vmem>>
    %dma_start3A_155 = arith.constant 0 : i32
    %dma_start3A_156 = tpu.memref_slice %arg6[%dma_start3A_151, %dma_start3A_155] : memref<16x100xi32, #tpu.memory_space<vmem>> -> memref<1x100xi32, #tpu.memory_space<vmem>>
    %dma_start3A_157 = tpu.memref_squeeze %dma_start3A_156 : memref<1x100xi32, #tpu.memory_space<vmem>> -> memref<100xi32, #tpu.memory_space<vmem>>
    %dma_start3A_158 = arith.constant 0 : i32
    %dma_start3A_159 = tpu.memref_slice %arg5[%dma_start3A_158] : memref<25600000xf32, #tpu.memory_space<hbm>> -> memref<25600000xf32, #tpu.memory_space<hbm>>
    tpu.enqueue_indirect_dma source(%dma_start3A_154 : memref<100xf32, #tpu.memory_space<vmem>>) target(%dma_start3A_159 : memref<25600000xf32, #tpu.memory_space<hbm>>) offsets(%dma_start3A_157 : memref<100xi32, #tpu.memory_space<vmem>>) semaphore(%arg8 : memref<!tpu.dma_semaphore, #tpu.memory_space<semaphore_mem>>)
    %dma_wait3A = arith.constant 0 : i32
    %dma_wait3A_160 = arith.constant 0 : i32
    %dma_wait3A_161 = arith.constant 0 : i32
    %dma_wait3A_162 = tpu.memref_slice %arg7[%dma_wait3A, %dma_wait3A_161] : memref<16x100xf32, #tpu.memory_space<vmem>> -> memref<1x100xf32, #tpu.memory_space<vmem>>
    %dma_wait3A_163 = tpu.memref_squeeze %dma_wait3A_162 : memref<1x100xf32, #tpu.memory_space<vmem>> -> memref<100xf32, #tpu.memory_space<vmem>>
    %dma_wait3A_164 = arith.constant 0 : i32
    %dma_wait3A_165 = tpu.memref_slice %arg6[%dma_wait3A_160, %dma_wait3A_164] : memref<16x100xi32, #tpu.memory_space<vmem>> -> memref<1x100xi32, #tpu.memory_space<vmem>>
    %dma_wait3A_166 = tpu.memref_squeeze %dma_wait3A_165 : memref<1x100xi32, #tpu.memory_space<vmem>> -> memref<100xi32, #tpu.memory_space<vmem>>
    %dma_wait3A_167 = arith.constant 0 : i32
    %dma_wait3A_168 = tpu.memref_slice %arg5[%dma_wait3A_167] : memref<25600000xf32, #tpu.memory_space<hbm>> -> memref<25600000xf32, #tpu.memory_space<hbm>>
    tpu.wait_indirect_dma semaphore(%arg8 : memref<!tpu.dma_semaphore, #tpu.memory_space<semaphore_mem>>) src(%dma_wait3A_163 : memref<100xf32, #tpu.memory_space<vmem>>) dst(%dma_wait3A_168 : memref<25600000xf32, #tpu.memory_space<hbm>>)
    %dma_wait3A_169 = arith.constant 1 : i32
    %dma_wait3A_170 = arith.constant 1 : i32
    %dma_wait3A_171 = arith.constant 0 : i32
    %dma_wait3A_172 = tpu.memref_slice %arg7[%dma_wait3A_169, %dma_wait3A_171] : memref<16x100xf32, #tpu.memory_space<vmem>> -> memref<1x100xf32, #tpu.memory_space<vmem>>
    %dma_wait3A_173 = tpu.memref_squeeze %dma_wait3A_172 : memref<1x100xf32, #tpu.memory_space<vmem>> -> memref<100xf32, #tpu.memory_space<vmem>>
    %dma_wait3A_174 = arith.constant 0 : i32
    %dma_wait3A_175 = tpu.memref_slice %arg6[%dma_wait3A_170, %dma_wait3A_174] : memref<16x100xi32, #tpu.memory_space<vmem>> -> memref<1x100xi32, #tpu.memory_space<vmem>>
    %dma_wait3A_176 = tpu.memref_squeeze %dma_wait3A_175 : memref<1x100xi32, #tpu.memory_space<vmem>> -> memref<100xi32, #tpu.memory_space<vmem>>
    %dma_wait3A_177 = arith.constant 0 : i32
    %dma_wait3A_178 = tpu.memref_slice %arg5[%dma_wait3A_177] : memref<25600000xf32, #tpu.memory_space<hbm>> -> memref<25600000xf32, #tpu.memory_space<hbm>>
    tpu.wait_indirect_dma semaphore(%arg8 : memref<!tpu.dma_semaphore, #tpu.memory_space<semaphore_mem>>) src(%dma_wait3A_173 : memref<100xf32, #tpu.memory_space<vmem>>) dst(%dma_wait3A_178 : memref<25600000xf32, #tpu.memory_space<hbm>>)
    %dma_wait3A_179 = arith.constant 2 : i32
    %dma_wait3A_180 = arith.constant 2 : i32
    %dma_wait3A_181 = arith.constant 0 : i32
    %dma_wait3A_182 = tpu.memref_slice %arg7[%dma_wait3A_179, %dma_wait3A_181] : memref<16x100xf32, #tpu.memory_space<vmem>> -> memref<1x100xf32, #tpu.memory_space<vmem>>
    %dma_wait3A_183 = tpu.memref_squeeze %dma_wait3A_182 : memref<1x100xf32, #tpu.memory_space<vmem>> -> memref<100xf32, #tpu.memory_space<vmem>>
    %dma_wait3A_184 = arith.constant 0 : i32
    %dma_wait3A_185 = tpu.memref_slice %arg6[%dma_wait3A_180, %dma_wait3A_184] : memref<16x100xi32, #tpu.memory_space<vmem>> -> memref<1x100xi32, #tpu.memory_space<vmem>>
    %dma_wait3A_186 = tpu.memref_squeeze %dma_wait3A_185 : memref<1x100xi32, #tpu.memory_space<vmem>> -> memref<100xi32, #tpu.memory_space<vmem>>
    %dma_wait3A_187 = arith.constant 0 : i32
    %dma_wait3A_188 = tpu.memref_slice %arg5[%dma_wait3A_187] : memref<25600000xf32, #tpu.memory_space<hbm>> -> memref<25600000xf32, #tpu.memory_space<hbm>>
    tpu.wait_indirect_dma semaphore(%arg8 : memref<!tpu.dma_semaphore, #tpu.memory_space<semaphore_mem>>) src(%dma_wait3A_183 : memref<100xf32, #tpu.memory_space<vmem>>) dst(%dma_wait3A_188 : memref<25600000xf32, #tpu.memory_space<hbm>>)
    %dma_wait3A_189 = arith.constant 3 : i32
    %dma_wait3A_190 = arith.constant 3 : i32
    %dma_wait3A_191 = arith.constant 0 : i32
    %dma_wait3A_192 = tpu.memref_slice %arg7[%dma_wait3A_189, %dma_wait3A_191] : memref<16x100xf32, #tpu.memory_space<vmem>> -> memref<1x100xf32, #tpu.memory_space<vmem>>
    %dma_wait3A_193 = tpu.memref_squeeze %dma_wait3A_192 : memref<1x100xf32, #tpu.memory_space<vmem>> -> memref<100xf32, #tpu.memory_space<vmem>>
    %dma_wait3A_194 = arith.constant 0 : i32
    %dma_wait3A_195 = tpu.memref_slice %arg6[%dma_wait3A_190, %dma_wait3A_194] : memref<16x100xi32, #tpu.memory_space<vmem>> -> memref<1x100xi32, #tpu.memory_space<vmem>>
    %dma_wait3A_196 = tpu.memref_squeeze %dma_wait3A_195 : memref<1x100xi32, #tpu.memory_space<vmem>> -> memref<100xi32, #tpu.memory_space<vmem>>
    %dma_wait3A_197 = arith.constant 0 : i32
    %dma_wait3A_198 = tpu.memref_slice %arg5[%dma_wait3A_197] : memref<25600000xf32, #tpu.memory_space<hbm>> -> memref<25600000xf32, #tpu.memory_space<hbm>>
    tpu.wait_indirect_dma semaphore(%arg8 : memref<!tpu.dma_semaphore, #tpu.memory_space<semaphore_mem>>) src(%dma_wait3A_193 : memref<100xf32, #tpu.memory_space<vmem>>) dst(%dma_wait3A_198 : memref<25600000xf32, #tpu.memory_space<hbm>>)
    %dma_wait3A_199 = arith.constant 4 : i32
    %dma_wait3A_200 = arith.constant 4 : i32
    %dma_wait3A_201 = arith.constant 0 : i32
    %dma_wait3A_202 = tpu.memref_slice %arg7[%dma_wait3A_199, %dma_wait3A_201] : memref<16x100xf32, #tpu.memory_space<vmem>> -> memref<1x100xf32, #tpu.memory_space<vmem>>
    %dma_wait3A_203 = tpu.memref_squeeze %dma_wait3A_202 : memref<1x100xf32, #tpu.memory_space<vmem>> -> memref<100xf32, #tpu.memory_space<vmem>>
    %dma_wait3A_204 = arith.constant 0 : i32
    %dma_wait3A_205 = tpu.memref_slice %arg6[%dma_wait3A_200, %dma_wait3A_204] : memref<16x100xi32, #tpu.memory_space<vmem>> -> memref<1x100xi32, #tpu.memory_space<vmem>>
    %dma_wait3A_206 = tpu.memref_squeeze %dma_wait3A_205 : memref<1x100xi32, #tpu.memory_space<vmem>> -> memref<100xi32, #tpu.memory_space<vmem>>
    %dma_wait3A_207 = arith.constant 0 : i32
    %dma_wait3A_208 = tpu.memref_slice %arg5[%dma_wait3A_207] : memref<25600000xf32, #tpu.memory_space<hbm>> -> memref<25600000xf32, #tpu.memory_space<hbm>>
    tpu.wait_indirect_dma semaphore(%arg8 : memref<!tpu.dma_semaphore, #tpu.memory_space<semaphore_mem>>) src(%dma_wait3A_203 : memref<100xf32, #tpu.memory_space<vmem>>) dst(%dma_wait3A_208 : memref<25600000xf32, #tpu.memory_space<hbm>>)
    %dma_wait3A_209 = arith.constant 5 : i32
    %dma_wait3A_210 = arith.constant 5 : i32
    %dma_wait3A_211 = arith.constant 0 : i32
    %dma_wait3A_212 = tpu.memref_slice %arg7[%dma_wait3A_209, %dma_wait3A_211] : memref<16x100xf32, #tpu.memory_space<vmem>> -> memref<1x100xf32, #tpu.memory_space<vmem>>
    %dma_wait3A_213 = tpu.memref_squeeze %dma_wait3A_212 : memref<1x100xf32, #tpu.memory_space<vmem>> -> memref<100xf32, #tpu.memory_space<vmem>>
    %dma_wait3A_214 = arith.constant 0 : i32
    %dma_wait3A_215 = tpu.memref_slice %arg6[%dma_wait3A_210, %dma_wait3A_214] : memref<16x100xi32, #tpu.memory_space<vmem>> -> memref<1x100xi32, #tpu.memory_space<vmem>>
    %dma_wait3A_216 = tpu.memref_squeeze %dma_wait3A_215 : memref<1x100xi32, #tpu.memory_space<vmem>> -> memref<100xi32, #tpu.memory_space<vmem>>
    %dma_wait3A_217 = arith.constant 0 : i32
    %dma_wait3A_218 = tpu.memref_slice %arg5[%dma_wait3A_217] : memref<25600000xf32, #tpu.memory_space<hbm>> -> memref<25600000xf32, #tpu.memory_space<hbm>>
    tpu.wait_indirect_dma semaphore(%arg8 : memref<!tpu.dma_semaphore, #tpu.memory_space<semaphore_mem>>) src(%dma_wait3A_213 : memref<100xf32, #tpu.memory_space<vmem>>) dst(%dma_wait3A_218 : memref<25600000xf32, #tpu.memory_space<hbm>>)
    %dma_wait3A_219 = arith.constant 6 : i32
    %dma_wait3A_220 = arith.constant 6 : i32
    %dma_wait3A_221 = arith.constant 0 : i32
    %dma_wait3A_222 = tpu.memref_slice %arg7[%dma_wait3A_219, %dma_wait3A_221] : memref<16x100xf32, #tpu.memory_space<vmem>> -> memref<1x100xf32, #tpu.memory_space<vmem>>
    %dma_wait3A_223 = tpu.memref_squeeze %dma_wait3A_222 : memref<1x100xf32, #tpu.memory_space<vmem>> -> memref<100xf32, #tpu.memory_space<vmem>>
    %dma_wait3A_224 = arith.constant 0 : i32
    %dma_wait3A_225 = tpu.memref_slice %arg6[%dma_wait3A_220, %dma_wait3A_224] : memref<16x100xi32, #tpu.memory_space<vmem>> -> memref<1x100xi32, #tpu.memory_space<vmem>>
    %dma_wait3A_226 = tpu.memref_squeeze %dma_wait3A_225 : memref<1x100xi32, #tpu.memory_space<vmem>> -> memref<100xi32, #tpu.memory_space<vmem>>
    %dma_wait3A_227 = arith.constant 0 : i32
    %dma_wait3A_228 = tpu.memref_slice %arg5[%dma_wait3A_227] : memref<25600000xf32, #tpu.memory_space<hbm>> -> memref<25600000xf32, #tpu.memory_space<hbm>>
    tpu.wait_indirect_dma semaphore(%arg8 : memref<!tpu.dma_semaphore, #tpu.memory_space<semaphore_mem>>) src(%dma_wait3A_223 : memref<100xf32, #tpu.memory_space<vmem>>) dst(%dma_wait3A_228 : memref<25600000xf32, #tpu.memory_space<hbm>>)
    %dma_wait3A_229 = arith.constant 7 : i32
    %dma_wait3A_230 = arith.constant 7 : i32
    %dma_wait3A_231 = arith.constant 0 : i32
    %dma_wait3A_232 = tpu.memref_slice %arg7[%dma_wait3A_229, %dma_wait3A_231] : memref<16x100xf32, #tpu.memory_space<vmem>> -> memref<1x100xf32, #tpu.memory_space<vmem>>
    %dma_wait3A_233 = tpu.memref_squeeze %dma_wait3A_232 : memref<1x100xf32, #tpu.memory_space<vmem>> -> memref<100xf32, #tpu.memory_space<vmem>>
    %dma_wait3A_234 = arith.constant 0 : i32
    %dma_wait3A_235 = tpu.memref_slice %arg6[%dma_wait3A_230, %dma_wait3A_234] : memref<16x100xi32, #tpu.memory_space<vmem>> -> memref<1x100xi32, #tpu.memory_space<vmem>>
    %dma_wait3A_236 = tpu.memref_squeeze %dma_wait3A_235 : memref<1x100xi32, #tpu.memory_space<vmem>> -> memref<100xi32, #tpu.memory_space<vmem>>
    %dma_wait3A_237 = arith.constant 0 : i32
    %dma_wait3A_238 = tpu.memref_slice %arg5[%dma_wait3A_237] : memref<25600000xf32, #tpu.memory_space<hbm>> -> memref<25600000xf32, #tpu.memory_space<hbm>>
    tpu.wait_indirect_dma semaphore(%arg8 : memref<!tpu.dma_semaphore, #tpu.memory_space<semaphore_mem>>) src(%dma_wait3A_233 : memref<100xf32, #tpu.memory_space<vmem>>) dst(%dma_wait3A_238 : memref<25600000xf32, #tpu.memory_space<hbm>>)
    %dma_wait3A_239 = arith.constant 8 : i32
    %dma_wait3A_240 = arith.constant 8 : i32
    %dma_wait3A_241 = arith.constant 0 : i32
    %dma_wait3A_242 = tpu.memref_slice %arg7[%dma_wait3A_239, %dma_wait3A_241] : memref<16x100xf32, #tpu.memory_space<vmem>> -> memref<1x100xf32, #tpu.memory_space<vmem>>
    %dma_wait3A_243 = tpu.memref_squeeze %dma_wait3A_242 : memref<1x100xf32, #tpu.memory_space<vmem>> -> memref<100xf32, #tpu.memory_space<vmem>>
    %dma_wait3A_244 = arith.constant 0 : i32
    %dma_wait3A_245 = tpu.memref_slice %arg6[%dma_wait3A_240, %dma_wait3A_244] : memref<16x100xi32, #tpu.memory_space<vmem>> -> memref<1x100xi32, #tpu.memory_space<vmem>>
    %dma_wait3A_246 = tpu.memref_squeeze %dma_wait3A_245 : memref<1x100xi32, #tpu.memory_space<vmem>> -> memref<100xi32, #tpu.memory_space<vmem>>
    %dma_wait3A_247 = arith.constant 0 : i32
    %dma_wait3A_248 = tpu.memref_slice %arg5[%dma_wait3A_247] : memref<25600000xf32, #tpu.memory_space<hbm>> -> memref<25600000xf32, #tpu.memory_space<hbm>>
    tpu.wait_indirect_dma semaphore(%arg8 : memref<!tpu.dma_semaphore, #tpu.memory_space<semaphore_mem>>) src(%dma_wait3A_243 : memref<100xf32, #tpu.memory_space<vmem>>) dst(%dma_wait3A_248 : memref<25600000xf32, #tpu.memory_space<hbm>>)
    %dma_wait3A_249 = arith.constant 9 : i32
    %dma_wait3A_250 = arith.constant 9 : i32
    %dma_wait3A_251 = arith.constant 0 : i32
    %dma_wait3A_252 = tpu.memref_slice %arg7[%dma_wait3A_249, %dma_wait3A_251] : memref<16x100xf32, #tpu.memory_space<vmem>> -> memref<1x100xf32, #tpu.memory_space<vmem>>
    %dma_wait3A_253 = tpu.memref_squeeze %dma_wait3A_252 : memref<1x100xf32, #tpu.memory_space<vmem>> -> memref<100xf32, #tpu.memory_space<vmem>>
    %dma_wait3A_254 = arith.constant 0 : i32
    %dma_wait3A_255 = tpu.memref_slice %arg6[%dma_wait3A_250, %dma_wait3A_254] : memref<16x100xi32, #tpu.memory_space<vmem>> -> memref<1x100xi32, #tpu.memory_space<vmem>>
    %dma_wait3A_256 = tpu.memref_squeeze %dma_wait3A_255 : memref<1x100xi32, #tpu.memory_space<vmem>> -> memref<100xi32, #tpu.memory_space<vmem>>
    %dma_wait3A_257 = arith.constant 0 : i32
    %dma_wait3A_258 = tpu.memref_slice %arg5[%dma_wait3A_257] : memref<25600000xf32, #tpu.memory_space<hbm>> -> memref<25600000xf32, #tpu.memory_space<hbm>>
    tpu.wait_indirect_dma semaphore(%arg8 : memref<!tpu.dma_semaphore, #tpu.memory_space<semaphore_mem>>) src(%dma_wait3A_253 : memref<100xf32, #tpu.memory_space<vmem>>) dst(%dma_wait3A_258 : memref<25600000xf32, #tpu.memory_space<hbm>>)
    %dma_wait3A_259 = arith.constant 10 : i32
    %dma_wait3A_260 = arith.constant 10 : i32
    %dma_wait3A_261 = arith.constant 0 : i32
    %dma_wait3A_262 = tpu.memref_slice %arg7[%dma_wait3A_259, %dma_wait3A_261] : memref<16x100xf32, #tpu.memory_space<vmem>> -> memref<1x100xf32, #tpu.memory_space<vmem>>
    %dma_wait3A_263 = tpu.memref_squeeze %dma_wait3A_262 : memref<1x100xf32, #tpu.memory_space<vmem>> -> memref<100xf32, #tpu.memory_space<vmem>>
    %dma_wait3A_264 = arith.constant 0 : i32
    %dma_wait3A_265 = tpu.memref_slice %arg6[%dma_wait3A_260, %dma_wait3A_264] : memref<16x100xi32, #tpu.memory_space<vmem>> -> memref<1x100xi32, #tpu.memory_space<vmem>>
    %dma_wait3A_266 = tpu.memref_squeeze %dma_wait3A_265 : memref<1x100xi32, #tpu.memory_space<vmem>> -> memref<100xi32, #tpu.memory_space<vmem>>
    %dma_wait3A_267 = arith.constant 0 : i32
    %dma_wait3A_268 = tpu.memref_slice %arg5[%dma_wait3A_267] : memref<25600000xf32, #tpu.memory_space<hbm>> -> memref<25600000xf32, #tpu.memory_space<hbm>>
    tpu.wait_indirect_dma semaphore(%arg8 : memref<!tpu.dma_semaphore, #tpu.memory_space<semaphore_mem>>) src(%dma_wait3A_263 : memref<100xf32, #tpu.memory_space<vmem>>) dst(%dma_wait3A_268 : memref<25600000xf32, #tpu.memory_space<hbm>>)
    %dma_wait3A_269 = arith.constant 11 : i32
    %dma_wait3A_270 = arith.constant 11 : i32
    %dma_wait3A_271 = arith.constant 0 : i32
    %dma_wait3A_272 = tpu.memref_slice %arg7[%dma_wait3A_269, %dma_wait3A_271] : memref<16x100xf32, #tpu.memory_space<vmem>> -> memref<1x100xf32, #tpu.memory_space<vmem>>
    %dma_wait3A_273 = tpu.memref_squeeze %dma_wait3A_272 : memref<1x100xf32, #tpu.memory_space<vmem>> -> memref<100xf32, #tpu.memory_space<vmem>>
    %dma_wait3A_274 = arith.constant 0 : i32
    %dma_wait3A_275 = tpu.memref_slice %arg6[%dma_wait3A_270, %dma_wait3A_274] : memref<16x100xi32, #tpu.memory_space<vmem>> -> memref<1x100xi32, #tpu.memory_space<vmem>>
    %dma_wait3A_276 = tpu.memref_squeeze %dma_wait3A_275 : memref<1x100xi32, #tpu.memory_space<vmem>> -> memref<100xi32, #tpu.memory_space<vmem>>
    %dma_wait3A_277 = arith.constant 0 : i32
    %dma_wait3A_278 = tpu.memref_slice %arg5[%dma_wait3A_277] : memref<25600000xf32, #tpu.memory_space<hbm>> -> memref<25600000xf32, #tpu.memory_space<hbm>>
    tpu.wait_indirect_dma semaphore(%arg8 : memref<!tpu.dma_semaphore, #tpu.memory_space<semaphore_mem>>) src(%dma_wait3A_273 : memref<100xf32, #tpu.memory_space<vmem>>) dst(%dma_wait3A_278 : memref<25600000xf32, #tpu.memory_space<hbm>>)
    %dma_wait3A_279 = arith.constant 12 : i32
    %dma_wait3A_280 = arith.constant 12 : i32
    %dma_wait3A_281 = arith.constant 0 : i32
    %dma_wait3A_282 = tpu.memref_slice %arg7[%dma_wait3A_279, %dma_wait3A_281] : memref<16x100xf32, #tpu.memory_space<vmem>> -> memref<1x100xf32, #tpu.memory_space<vmem>>
    %dma_wait3A_283 = tpu.memref_squeeze %dma_wait3A_282 : memref<1x100xf32, #tpu.memory_space<vmem>> -> memref<100xf32, #tpu.memory_space<vmem>>
    %dma_wait3A_284 = arith.constant 0 : i32
    %dma_wait3A_285 = tpu.memref_slice %arg6[%dma_wait3A_280, %dma_wait3A_284] : memref<16x100xi32, #tpu.memory_space<vmem>> -> memref<1x100xi32, #tpu.memory_space<vmem>>
    %dma_wait3A_286 = tpu.memref_squeeze %dma_wait3A_285 : memref<1x100xi32, #tpu.memory_space<vmem>> -> memref<100xi32, #tpu.memory_space<vmem>>
    %dma_wait3A_287 = arith.constant 0 : i32
    %dma_wait3A_288 = tpu.memref_slice %arg5[%dma_wait3A_287] : memref<25600000xf32, #tpu.memory_space<hbm>> -> memref<25600000xf32, #tpu.memory_space<hbm>>
    tpu.wait_indirect_dma semaphore(%arg8 : memref<!tpu.dma_semaphore, #tpu.memory_space<semaphore_mem>>) src(%dma_wait3A_283 : memref<100xf32, #tpu.memory_space<vmem>>) dst(%dma_wait3A_288 : memref<25600000xf32, #tpu.memory_space<hbm>>)
    %dma_wait3A_289 = arith.constant 13 : i32
    %dma_wait3A_290 = arith.constant 13 : i32
    %dma_wait3A_291 = arith.constant 0 : i32
    %dma_wait3A_292 = tpu.memref_slice %arg7[%dma_wait3A_289, %dma_wait3A_291] : memref<16x100xf32, #tpu.memory_space<vmem>> -> memref<1x100xf32, #tpu.memory_space<vmem>>
    %dma_wait3A_293 = tpu.memref_squeeze %dma_wait3A_292 : memref<1x100xf32, #tpu.memory_space<vmem>> -> memref<100xf32, #tpu.memory_space<vmem>>
    %dma_wait3A_294 = arith.constant 0 : i32
    %dma_wait3A_295 = tpu.memref_slice %arg6[%dma_wait3A_290, %dma_wait3A_294] : memref<16x100xi32, #tpu.memory_space<vmem>> -> memref<1x100xi32, #tpu.memory_space<vmem>>
    %dma_wait3A_296 = tpu.memref_squeeze %dma_wait3A_295 : memref<1x100xi32, #tpu.memory_space<vmem>> -> memref<100xi32, #tpu.memory_space<vmem>>
    %dma_wait3A_297 = arith.constant 0 : i32
    %dma_wait3A_298 = tpu.memref_slice %arg5[%dma_wait3A_297] : memref<25600000xf32, #tpu.memory_space<hbm>> -> memref<25600000xf32, #tpu.memory_space<hbm>>
    tpu.wait_indirect_dma semaphore(%arg8 : memref<!tpu.dma_semaphore, #tpu.memory_space<semaphore_mem>>) src(%dma_wait3A_293 : memref<100xf32, #tpu.memory_space<vmem>>) dst(%dma_wait3A_298 : memref<25600000xf32, #tpu.memory_space<hbm>>)
    %dma_wait3A_299 = arith.constant 14 : i32
    %dma_wait3A_300 = arith.constant 14 : i32
    %dma_wait3A_301 = arith.constant 0 : i32
    %dma_wait3A_302 = tpu.memref_slice %arg7[%dma_wait3A_299, %dma_wait3A_301] : memref<16x100xf32, #tpu.memory_space<vmem>> -> memref<1x100xf32, #tpu.memory_space<vmem>>
    %dma_wait3A_303 = tpu.memref_squeeze %dma_wait3A_302 : memref<1x100xf32, #tpu.memory_space<vmem>> -> memref<100xf32, #tpu.memory_space<vmem>>
    %dma_wait3A_304 = arith.constant 0 : i32
    %dma_wait3A_305 = tpu.memref_slice %arg6[%dma_wait3A_300, %dma_wait3A_304] : memref<16x100xi32, #tpu.memory_space<vmem>> -> memref<1x100xi32, #tpu.memory_space<vmem>>
    %dma_wait3A_306 = tpu.memref_squeeze %dma_wait3A_305 : memref<1x100xi32, #tpu.memory_space<vmem>> -> memref<100xi32, #tpu.memory_space<vmem>>
    %dma_wait3A_307 = arith.constant 0 : i32
    %dma_wait3A_308 = tpu.memref_slice %arg5[%dma_wait3A_307] : memref<25600000xf32, #tpu.memory_space<hbm>> -> memref<25600000xf32, #tpu.memory_space<hbm>>
    tpu.wait_indirect_dma semaphore(%arg8 : memref<!tpu.dma_semaphore, #tpu.memory_space<semaphore_mem>>) src(%dma_wait3A_303 : memref<100xf32, #tpu.memory_space<vmem>>) dst(%dma_wait3A_308 : memref<25600000xf32, #tpu.memory_space<hbm>>)
    %dma_wait3A_309 = arith.constant 15 : i32
    %dma_wait3A_310 = arith.constant 15 : i32
    %dma_wait3A_311 = arith.constant 0 : i32
    %dma_wait3A_312 = tpu.memref_slice %arg7[%dma_wait3A_309, %dma_wait3A_311] : memref<16x100xf32, #tpu.memory_space<vmem>> -> memref<1x100xf32, #tpu.memory_space<vmem>>
    %dma_wait3A_313 = tpu.memref_squeeze %dma_wait3A_312 : memref<1x100xf32, #tpu.memory_space<vmem>> -> memref<100xf32, #tpu.memory_space<vmem>>
    %dma_wait3A_314 = arith.constant 0 : i32
    %dma_wait3A_315 = tpu.memref_slice %arg6[%dma_wait3A_310, %dma_wait3A_314] : memref<16x100xi32, #tpu.memory_space<vmem>> -> memref<1x100xi32, #tpu.memory_space<vmem>>
    %dma_wait3A_316 = tpu.memref_squeeze %dma_wait3A_315 : memref<1x100xi32, #tpu.memory_space<vmem>> -> memref<100xi32, #tpu.memory_space<vmem>>
    %dma_wait3A_317 = arith.constant 0 : i32
    %dma_wait3A_318 = tpu.memref_slice %arg5[%dma_wait3A_317] : memref<25600000xf32, #tpu.memory_space<hbm>> -> memref<25600000xf32, #tpu.memory_space<hbm>>
    tpu.wait_indirect_dma semaphore(%arg8 : memref<!tpu.dma_semaphore, #tpu.memory_space<semaphore_mem>>) src(%dma_wait3A_313 : memref<100xf32, #tpu.memory_space<vmem>>) dst(%dma_wait3A_318 : memref<25600000xf32, #tpu.memory_space<hbm>>)
    return
  }
}

#map = affine_map<(d0, d1) -> (0)>
#map1 = affine_map<(d0, d1) -> (0, 0, 0)>
module attributes {stable_mosaic.version = 14 : i64} {
  func.func @_sc_gather(%arg0: i32, %arg1: i32, %arg2: memref<25600000xf32, #tpu.memory_space<hbm>>, %arg3: memref<32x16x100xi32, #tpu.memory_space<hbm>>, %arg4: memref<32x16x100xf32, #tpu.memory_space<hbm>>, %arg5: memref<16x100xi32, #tpu.memory_space<vmem>>, %arg6: memref<16x100xf32, #tpu.memory_space<vmem>>, %arg7: memref<!tpu.dma_semaphore, #tpu.memory_space<semaphore_mem>>) attributes {dimension_semantics = [#tpu.dimension_semantics<core_parallel>, #tpu.dimension_semantics<subcore_parallel>], iteration_bounds = array<i64: 2, 16>, scalar_prefetch = 0 : i64, scratch_operands = 3 : i64, tpu.core_type = #tpu.core_type<sc_vector_subcore>, window_params = [{transform_indices = #map}, {transform_indices = #map1}, {transform_indices = #map1}]} {
    %mul3A = arith.constant 2 : i32
    %mul3A_0 = arith.muli %arg1, %mul3A : i32
    %add3A = arith.addi %mul3A_0, %arg0 : i32
    "tpu.region"() ({
      %run_scoped3A = tpu.sem_alloc : memref<!tpu.dma_semaphore, #tpu.memory_space<semaphore_mem>>
      %dma_start3A_319 = arith.constant 0 : i32
      %dma_start3A_320 = arith.constant 0 : i32
      %dma_start3A_321 = tpu.memref_slice %arg3[%add3A, %dma_start3A_319, %dma_start3A_320] : memref<32x16x100xi32, #tpu.memory_space<hbm>> -> memref<1x16x100xi32, #tpu.memory_space<hbm>>
      %dma_start3A_322 = tpu.memref_squeeze %dma_start3A_321 : memref<1x16x100xi32, #tpu.memory_space<hbm>> -> memref<16x100xi32, #tpu.memory_space<hbm>>
      %dma_start3A_323 = arith.constant 0 : i32
      %dma_start3A_324 = arith.constant 0 : i32
      %dma_start3A_325 = tpu.memref_slice %arg3[%add3A, %dma_start3A_323, %dma_start3A_324] : memref<32x16x100xi32, #tpu.memory_space<hbm>> -> memref<1x16x100xi32, #tpu.memory_space<hbm>>
      %dma_start3A_326 = tpu.memref_squeeze %dma_start3A_325 : memref<1x16x100xi32, #tpu.memory_space<hbm>> -> memref<16x100xi32, #tpu.memory_space<hbm>>
      tpu.enqueue_dma source(%dma_start3A_326 : memref<16x100xi32, #tpu.memory_space<hbm>>) target(%arg5 : memref<16x100xi32, #tpu.memory_space<vmem>>) target_semaphore(%run_scoped3A : memref<!tpu.dma_semaphore, #tpu.memory_space<semaphore_mem>>)
      %dma_wait3A_327 = arith.constant 0 : i32
      %dma_wait3A_328 = arith.constant 0 : i32
      %dma_wait3A_329 = tpu.memref_slice %arg3[%add3A, %dma_wait3A_327, %dma_wait3A_328] : memref<32x16x100xi32, #tpu.memory_space<hbm>> -> memref<1x16x100xi32, #tpu.memory_space<hbm>>
      %dma_wait3A_330 = tpu.memref_squeeze %dma_wait3A_329 : memref<1x16x100xi32, #tpu.memory_space<hbm>> -> memref<16x100xi32, #tpu.memory_space<hbm>>
      %dma_wait3A_331 = arith.constant 0 : i32
      %dma_wait3A_332 = arith.constant 0 : i32
      %dma_wait3A_333 = tpu.memref_slice %arg3[%add3A, %dma_wait3A_331, %dma_wait3A_332] : memref<32x16x100xi32, #tpu.memory_space<hbm>> -> memref<1x16x100xi32, #tpu.memory_space<hbm>>
      %dma_wait3A_334 = tpu.memref_squeeze %dma_wait3A_333 : memref<1x16x100xi32, #tpu.memory_space<hbm>> -> memref<16x100xi32, #tpu.memory_space<hbm>>
      tpu.wait_dma2 semaphore(%run_scoped3A : memref<!tpu.dma_semaphore, #tpu.memory_space<semaphore_mem>>) src(%dma_wait3A_334 : memref<16x100xi32, #tpu.memory_space<hbm>>) dst(%arg5 : memref<16x100xi32, #tpu.memory_space<vmem>>)
      tpu.yield
    }) : () -> ()
    %dma_start3A = arith.constant 0 : i32
    %dma_start3A_1 = arith.constant 0 : i32
    %dma_start3A_2 = arith.constant 0 : i32
    %dma_start3A_3 = tpu.memref_slice %arg6[%dma_start3A_1, %dma_start3A_2] : memref<16x100xf32, #tpu.memory_space<vmem>> -> memref<1x100xf32, #tpu.memory_space<vmem>>
    %dma_start3A_4 = tpu.memref_squeeze %dma_start3A_3 : memref<1x100xf32, #tpu.memory_space<vmem>> -> memref<100xf32, #tpu.memory_space<vmem>>
    %dma_start3A_5 = arith.constant 0 : i32
    %dma_start3A_6 = tpu.memref_slice %arg5[%dma_start3A, %dma_start3A_5] : memref<16x100xi32, #tpu.memory_space<vmem>> -> memref<1x100xi32, #tpu.memory_space<vmem>>
    %dma_start3A_7 = tpu.memref_squeeze %dma_start3A_6 : memref<1x100xi32, #tpu.memory_space<vmem>> -> memref<100xi32, #tpu.memory_space<vmem>>
    %dma_start3A_8 = arith.constant 0 : i32
    %dma_start3A_9 = tpu.memref_slice %arg2[%dma_start3A_8] : memref<25600000xf32, #tpu.memory_space<hbm>> -> memref<25600000xf32, #tpu.memory_space<hbm>>
    tpu.enqueue_indirect_dma source(%dma_start3A_9 : memref<25600000xf32, #tpu.memory_space<hbm>>) target(%dma_start3A_4 : memref<100xf32, #tpu.memory_space<vmem>>) offsets(%dma_start3A_7 : memref<100xi32, #tpu.memory_space<vmem>>) semaphore(%arg7 : memref<!tpu.dma_semaphore, #tpu.memory_space<semaphore_mem>>)
    %dma_start3A_10 = arith.constant 1 : i32
    %dma_start3A_11 = arith.constant 1 : i32
    %dma_start3A_12 = arith.constant 0 : i32
    %dma_start3A_13 = tpu.memref_slice %arg6[%dma_start3A_11, %dma_start3A_12] : memref<16x100xf32, #tpu.memory_space<vmem>> -> memref<1x100xf32, #tpu.memory_space<vmem>>
    %dma_start3A_14 = tpu.memref_squeeze %dma_start3A_13 : memref<1x100xf32, #tpu.memory_space<vmem>> -> memref<100xf32, #tpu.memory_space<vmem>>
    %dma_start3A_15 = arith.constant 0 : i32
    %dma_start3A_16 = tpu.memref_slice %arg5[%dma_start3A_10, %dma_start3A_15] : memref<16x100xi32, #tpu.memory_space<vmem>> -> memref<1x100xi32, #tpu.memory_space<vmem>>
    %dma_start3A_17 = tpu.memref_squeeze %dma_start3A_16 : memref<1x100xi32, #tpu.memory_space<vmem>> -> memref<100xi32, #tpu.memory_space<vmem>>
    %dma_start3A_18 = arith.constant 0 : i32
    %dma_start3A_19 = tpu.memref_slice %arg2[%dma_start3A_18] : memref<25600000xf32, #tpu.memory_space<hbm>> -> memref<25600000xf32, #tpu.memory_space<hbm>>
    tpu.enqueue_indirect_dma source(%dma_start3A_19 : memref<25600000xf32, #tpu.memory_space<hbm>>) target(%dma_start3A_14 : memref<100xf32, #tpu.memory_space<vmem>>) offsets(%dma_start3A_17 : memref<100xi32, #tpu.memory_space<vmem>>) semaphore(%arg7 : memref<!tpu.dma_semaphore, #tpu.memory_space<semaphore_mem>>)
    %dma_start3A_20 = arith.constant 2 : i32
    %dma_start3A_21 = arith.constant 2 : i32
    %dma_start3A_22 = arith.constant 0 : i32
    %dma_start3A_23 = tpu.memref_slice %arg6[%dma_start3A_21, %dma_start3A_22] : memref<16x100xf32, #tpu.memory_space<vmem>> -> memref<1x100xf32, #tpu.memory_space<vmem>>
    %dma_start3A_24 = tpu.memref_squeeze %dma_start3A_23 : memref<1x100xf32, #tpu.memory_space<vmem>> -> memref<100xf32, #tpu.memory_space<vmem>>
    %dma_start3A_25 = arith.constant 0 : i32
    %dma_start3A_26 = tpu.memref_slice %arg5[%dma_start3A_20, %dma_start3A_25] : memref<16x100xi32, #tpu.memory_space<vmem>> -> memref<1x100xi32, #tpu.memory_space<vmem>>
    %dma_start3A_27 = tpu.memref_squeeze %dma_start3A_26 : memref<1x100xi32, #tpu.memory_space<vmem>> -> memref<100xi32, #tpu.memory_space<vmem>>
    %dma_start3A_28 = arith.constant 0 : i32
    %dma_start3A_29 = tpu.memref_slice %arg2[%dma_start3A_28] : memref<25600000xf32, #tpu.memory_space<hbm>> -> memref<25600000xf32, #tpu.memory_space<hbm>>
    tpu.enqueue_indirect_dma source(%dma_start3A_29 : memref<25600000xf32, #tpu.memory_space<hbm>>) target(%dma_start3A_24 : memref<100xf32, #tpu.memory_space<vmem>>) offsets(%dma_start3A_27 : memref<100xi32, #tpu.memory_space<vmem>>) semaphore(%arg7 : memref<!tpu.dma_semaphore, #tpu.memory_space<semaphore_mem>>)
    %dma_start3A_30 = arith.constant 3 : i32
    %dma_start3A_31 = arith.constant 3 : i32
    %dma_start3A_32 = arith.constant 0 : i32
    %dma_start3A_33 = tpu.memref_slice %arg6[%dma_start3A_31, %dma_start3A_32] : memref<16x100xf32, #tpu.memory_space<vmem>> -> memref<1x100xf32, #tpu.memory_space<vmem>>
    %dma_start3A_34 = tpu.memref_squeeze %dma_start3A_33 : memref<1x100xf32, #tpu.memory_space<vmem>> -> memref<100xf32, #tpu.memory_space<vmem>>
    %dma_start3A_35 = arith.constant 0 : i32
    %dma_start3A_36 = tpu.memref_slice %arg5[%dma_start3A_30, %dma_start3A_35] : memref<16x100xi32, #tpu.memory_space<vmem>> -> memref<1x100xi32, #tpu.memory_space<vmem>>
    %dma_start3A_37 = tpu.memref_squeeze %dma_start3A_36 : memref<1x100xi32, #tpu.memory_space<vmem>> -> memref<100xi32, #tpu.memory_space<vmem>>
    %dma_start3A_38 = arith.constant 0 : i32
    %dma_start3A_39 = tpu.memref_slice %arg2[%dma_start3A_38] : memref<25600000xf32, #tpu.memory_space<hbm>> -> memref<25600000xf32, #tpu.memory_space<hbm>>
    tpu.enqueue_indirect_dma source(%dma_start3A_39 : memref<25600000xf32, #tpu.memory_space<hbm>>) target(%dma_start3A_34 : memref<100xf32, #tpu.memory_space<vmem>>) offsets(%dma_start3A_37 : memref<100xi32, #tpu.memory_space<vmem>>) semaphore(%arg7 : memref<!tpu.dma_semaphore, #tpu.memory_space<semaphore_mem>>)
    %dma_start3A_40 = arith.constant 4 : i32
    %dma_start3A_41 = arith.constant 4 : i32
    %dma_start3A_42 = arith.constant 0 : i32
    %dma_start3A_43 = tpu.memref_slice %arg6[%dma_start3A_41, %dma_start3A_42] : memref<16x100xf32, #tpu.memory_space<vmem>> -> memref<1x100xf32, #tpu.memory_space<vmem>>
    %dma_start3A_44 = tpu.memref_squeeze %dma_start3A_43 : memref<1x100xf32, #tpu.memory_space<vmem>> -> memref<100xf32, #tpu.memory_space<vmem>>
    %dma_start3A_45 = arith.constant 0 : i32
    %dma_start3A_46 = tpu.memref_slice %arg5[%dma_start3A_40, %dma_start3A_45] : memref<16x100xi32, #tpu.memory_space<vmem>> -> memref<1x100xi32, #tpu.memory_space<vmem>>
    %dma_start3A_47 = tpu.memref_squeeze %dma_start3A_46 : memref<1x100xi32, #tpu.memory_space<vmem>> -> memref<100xi32, #tpu.memory_space<vmem>>
    %dma_start3A_48 = arith.constant 0 : i32
    %dma_start3A_49 = tpu.memref_slice %arg2[%dma_start3A_48] : memref<25600000xf32, #tpu.memory_space<hbm>> -> memref<25600000xf32, #tpu.memory_space<hbm>>
    tpu.enqueue_indirect_dma source(%dma_start3A_49 : memref<25600000xf32, #tpu.memory_space<hbm>>) target(%dma_start3A_44 : memref<100xf32, #tpu.memory_space<vmem>>) offsets(%dma_start3A_47 : memref<100xi32, #tpu.memory_space<vmem>>) semaphore(%arg7 : memref<!tpu.dma_semaphore, #tpu.memory_space<semaphore_mem>>)
    %dma_start3A_50 = arith.constant 5 : i32
    %dma_start3A_51 = arith.constant 5 : i32
    %dma_start3A_52 = arith.constant 0 : i32
    %dma_start3A_53 = tpu.memref_slice %arg6[%dma_start3A_51, %dma_start3A_52] : memref<16x100xf32, #tpu.memory_space<vmem>> -> memref<1x100xf32, #tpu.memory_space<vmem>>
    %dma_start3A_54 = tpu.memref_squeeze %dma_start3A_53 : memref<1x100xf32, #tpu.memory_space<vmem>> -> memref<100xf32, #tpu.memory_space<vmem>>
    %dma_start3A_55 = arith.constant 0 : i32
    %dma_start3A_56 = tpu.memref_slice %arg5[%dma_start3A_50, %dma_start3A_55] : memref<16x100xi32, #tpu.memory_space<vmem>> -> memref<1x100xi32, #tpu.memory_space<vmem>>
    %dma_start3A_57 = tpu.memref_squeeze %dma_start3A_56 : memref<1x100xi32, #tpu.memory_space<vmem>> -> memref<100xi32, #tpu.memory_space<vmem>>
    %dma_start3A_58 = arith.constant 0 : i32
    %dma_start3A_59 = tpu.memref_slice %arg2[%dma_start3A_58] : memref<25600000xf32, #tpu.memory_space<hbm>> -> memref<25600000xf32, #tpu.memory_space<hbm>>
    tpu.enqueue_indirect_dma source(%dma_start3A_59 : memref<25600000xf32, #tpu.memory_space<hbm>>) target(%dma_start3A_54 : memref<100xf32, #tpu.memory_space<vmem>>) offsets(%dma_start3A_57 : memref<100xi32, #tpu.memory_space<vmem>>) semaphore(%arg7 : memref<!tpu.dma_semaphore, #tpu.memory_space<semaphore_mem>>)
    %dma_start3A_60 = arith.constant 6 : i32
    %dma_start3A_61 = arith.constant 6 : i32
    %dma_start3A_62 = arith.constant 0 : i32
    %dma_start3A_63 = tpu.memref_slice %arg6[%dma_start3A_61, %dma_start3A_62] : memref<16x100xf32, #tpu.memory_space<vmem>> -> memref<1x100xf32, #tpu.memory_space<vmem>>
    %dma_start3A_64 = tpu.memref_squeeze %dma_start3A_63 : memref<1x100xf32, #tpu.memory_space<vmem>> -> memref<100xf32, #tpu.memory_space<vmem>>
    %dma_start3A_65 = arith.constant 0 : i32
    %dma_start3A_66 = tpu.memref_slice %arg5[%dma_start3A_60, %dma_start3A_65] : memref<16x100xi32, #tpu.memory_space<vmem>> -> memref<1x100xi32, #tpu.memory_space<vmem>>
    %dma_start3A_67 = tpu.memref_squeeze %dma_start3A_66 : memref<1x100xi32, #tpu.memory_space<vmem>> -> memref<100xi32, #tpu.memory_space<vmem>>
    %dma_start3A_68 = arith.constant 0 : i32
    %dma_start3A_69 = tpu.memref_slice %arg2[%dma_start3A_68] : memref<25600000xf32, #tpu.memory_space<hbm>> -> memref<25600000xf32, #tpu.memory_space<hbm>>
    tpu.enqueue_indirect_dma source(%dma_start3A_69 : memref<25600000xf32, #tpu.memory_space<hbm>>) target(%dma_start3A_64 : memref<100xf32, #tpu.memory_space<vmem>>) offsets(%dma_start3A_67 : memref<100xi32, #tpu.memory_space<vmem>>) semaphore(%arg7 : memref<!tpu.dma_semaphore, #tpu.memory_space<semaphore_mem>>)
    %dma_start3A_70 = arith.constant 7 : i32
    %dma_start3A_71 = arith.constant 7 : i32
    %dma_start3A_72 = arith.constant 0 : i32
    %dma_start3A_73 = tpu.memref_slice %arg6[%dma_start3A_71, %dma_start3A_72] : memref<16x100xf32, #tpu.memory_space<vmem>> -> memref<1x100xf32, #tpu.memory_space<vmem>>
    %dma_start3A_74 = tpu.memref_squeeze %dma_start3A_73 : memref<1x100xf32, #tpu.memory_space<vmem>> -> memref<100xf32, #tpu.memory_space<vmem>>
    %dma_start3A_75 = arith.constant 0 : i32
    %dma_start3A_76 = tpu.memref_slice %arg5[%dma_start3A_70, %dma_start3A_75] : memref<16x100xi32, #tpu.memory_space<vmem>> -> memref<1x100xi32, #tpu.memory_space<vmem>>
    %dma_start3A_77 = tpu.memref_squeeze %dma_start3A_76 : memref<1x100xi32, #tpu.memory_space<vmem>> -> memref<100xi32, #tpu.memory_space<vmem>>
    %dma_start3A_78 = arith.constant 0 : i32
    %dma_start3A_79 = tpu.memref_slice %arg2[%dma_start3A_78] : memref<25600000xf32, #tpu.memory_space<hbm>> -> memref<25600000xf32, #tpu.memory_space<hbm>>
    tpu.enqueue_indirect_dma source(%dma_start3A_79 : memref<25600000xf32, #tpu.memory_space<hbm>>) target(%dma_start3A_74 : memref<100xf32, #tpu.memory_space<vmem>>) offsets(%dma_start3A_77 : memref<100xi32, #tpu.memory_space<vmem>>) semaphore(%arg7 : memref<!tpu.dma_semaphore, #tpu.memory_space<semaphore_mem>>)
    %dma_start3A_80 = arith.constant 8 : i32
    %dma_start3A_81 = arith.constant 8 : i32
    %dma_start3A_82 = arith.constant 0 : i32
    %dma_start3A_83 = tpu.memref_slice %arg6[%dma_start3A_81, %dma_start3A_82] : memref<16x100xf32, #tpu.memory_space<vmem>> -> memref<1x100xf32, #tpu.memory_space<vmem>>
    %dma_start3A_84 = tpu.memref_squeeze %dma_start3A_83 : memref<1x100xf32, #tpu.memory_space<vmem>> -> memref<100xf32, #tpu.memory_space<vmem>>
    %dma_start3A_85 = arith.constant 0 : i32
    %dma_start3A_86 = tpu.memref_slice %arg5[%dma_start3A_80, %dma_start3A_85] : memref<16x100xi32, #tpu.memory_space<vmem>> -> memref<1x100xi32, #tpu.memory_space<vmem>>
    %dma_start3A_87 = tpu.memref_squeeze %dma_start3A_86 : memref<1x100xi32, #tpu.memory_space<vmem>> -> memref<100xi32, #tpu.memory_space<vmem>>
    %dma_start3A_88 = arith.constant 0 : i32
    %dma_start3A_89 = tpu.memref_slice %arg2[%dma_start3A_88] : memref<25600000xf32, #tpu.memory_space<hbm>> -> memref<25600000xf32, #tpu.memory_space<hbm>>
    tpu.enqueue_indirect_dma source(%dma_start3A_89 : memref<25600000xf32, #tpu.memory_space<hbm>>) target(%dma_start3A_84 : memref<100xf32, #tpu.memory_space<vmem>>) offsets(%dma_start3A_87 : memref<100xi32, #tpu.memory_space<vmem>>) semaphore(%arg7 : memref<!tpu.dma_semaphore, #tpu.memory_space<semaphore_mem>>)
    %dma_start3A_90 = arith.constant 9 : i32
    %dma_start3A_91 = arith.constant 9 : i32
    %dma_start3A_92 = arith.constant 0 : i32
    %dma_start3A_93 = tpu.memref_slice %arg6[%dma_start3A_91, %dma_start3A_92] : memref<16x100xf32, #tpu.memory_space<vmem>> -> memref<1x100xf32, #tpu.memory_space<vmem>>
    %dma_start3A_94 = tpu.memref_squeeze %dma_start3A_93 : memref<1x100xf32, #tpu.memory_space<vmem>> -> memref<100xf32, #tpu.memory_space<vmem>>
    %dma_start3A_95 = arith.constant 0 : i32
    %dma_start3A_96 = tpu.memref_slice %arg5[%dma_start3A_90, %dma_start3A_95] : memref<16x100xi32, #tpu.memory_space<vmem>> -> memref<1x100xi32, #tpu.memory_space<vmem>>
    %dma_start3A_97 = tpu.memref_squeeze %dma_start3A_96 : memref<1x100xi32, #tpu.memory_space<vmem>> -> memref<100xi32, #tpu.memory_space<vmem>>
    %dma_start3A_98 = arith.constant 0 : i32
    %dma_start3A_99 = tpu.memref_slice %arg2[%dma_start3A_98] : memref<25600000xf32, #tpu.memory_space<hbm>> -> memref<25600000xf32, #tpu.memory_space<hbm>>
    tpu.enqueue_indirect_dma source(%dma_start3A_99 : memref<25600000xf32, #tpu.memory_space<hbm>>) target(%dma_start3A_94 : memref<100xf32, #tpu.memory_space<vmem>>) offsets(%dma_start3A_97 : memref<100xi32, #tpu.memory_space<vmem>>) semaphore(%arg7 : memref<!tpu.dma_semaphore, #tpu.memory_space<semaphore_mem>>)
    %dma_start3A_100 = arith.constant 10 : i32
    %dma_start3A_101 = arith.constant 10 : i32
    %dma_start3A_102 = arith.constant 0 : i32
    %dma_start3A_103 = tpu.memref_slice %arg6[%dma_start3A_101, %dma_start3A_102] : memref<16x100xf32, #tpu.memory_space<vmem>> -> memref<1x100xf32, #tpu.memory_space<vmem>>
    %dma_start3A_104 = tpu.memref_squeeze %dma_start3A_103 : memref<1x100xf32, #tpu.memory_space<vmem>> -> memref<100xf32, #tpu.memory_space<vmem>>
    %dma_start3A_105 = arith.constant 0 : i32
    %dma_start3A_106 = tpu.memref_slice %arg5[%dma_start3A_100, %dma_start3A_105] : memref<16x100xi32, #tpu.memory_space<vmem>> -> memref<1x100xi32, #tpu.memory_space<vmem>>
    %dma_start3A_107 = tpu.memref_squeeze %dma_start3A_106 : memref<1x100xi32, #tpu.memory_space<vmem>> -> memref<100xi32, #tpu.memory_space<vmem>>
    %dma_start3A_108 = arith.constant 0 : i32
    %dma_start3A_109 = tpu.memref_slice %arg2[%dma_start3A_108] : memref<25600000xf32, #tpu.memory_space<hbm>> -> memref<25600000xf32, #tpu.memory_space<hbm>>
    tpu.enqueue_indirect_dma source(%dma_start3A_109 : memref<25600000xf32, #tpu.memory_space<hbm>>) target(%dma_start3A_104 : memref<100xf32, #tpu.memory_space<vmem>>) offsets(%dma_start3A_107 : memref<100xi32, #tpu.memory_space<vmem>>) semaphore(%arg7 : memref<!tpu.dma_semaphore, #tpu.memory_space<semaphore_mem>>)
    %dma_start3A_110 = arith.constant 11 : i32
    %dma_start3A_111 = arith.constant 11 : i32
    %dma_start3A_112 = arith.constant 0 : i32
    %dma_start3A_113 = tpu.memref_slice %arg6[%dma_start3A_111, %dma_start3A_112] : memref<16x100xf32, #tpu.memory_space<vmem>> -> memref<1x100xf32, #tpu.memory_space<vmem>>
    %dma_start3A_114 = tpu.memref_squeeze %dma_start3A_113 : memref<1x100xf32, #tpu.memory_space<vmem>> -> memref<100xf32, #tpu.memory_space<vmem>>
    %dma_start3A_115 = arith.constant 0 : i32
    %dma_start3A_116 = tpu.memref_slice %arg5[%dma_start3A_110, %dma_start3A_115] : memref<16x100xi32, #tpu.memory_space<vmem>> -> memref<1x100xi32, #tpu.memory_space<vmem>>
    %dma_start3A_117 = tpu.memref_squeeze %dma_start3A_116 : memref<1x100xi32, #tpu.memory_space<vmem>> -> memref<100xi32, #tpu.memory_space<vmem>>
    %dma_start3A_118 = arith.constant 0 : i32
    %dma_start3A_119 = tpu.memref_slice %arg2[%dma_start3A_118] : memref<25600000xf32, #tpu.memory_space<hbm>> -> memref<25600000xf32, #tpu.memory_space<hbm>>
    tpu.enqueue_indirect_dma source(%dma_start3A_119 : memref<25600000xf32, #tpu.memory_space<hbm>>) target(%dma_start3A_114 : memref<100xf32, #tpu.memory_space<vmem>>) offsets(%dma_start3A_117 : memref<100xi32, #tpu.memory_space<vmem>>) semaphore(%arg7 : memref<!tpu.dma_semaphore, #tpu.memory_space<semaphore_mem>>)
    %dma_start3A_120 = arith.constant 12 : i32
    %dma_start3A_121 = arith.constant 12 : i32
    %dma_start3A_122 = arith.constant 0 : i32
    %dma_start3A_123 = tpu.memref_slice %arg6[%dma_start3A_121, %dma_start3A_122] : memref<16x100xf32, #tpu.memory_space<vmem>> -> memref<1x100xf32, #tpu.memory_space<vmem>>
    %dma_start3A_124 = tpu.memref_squeeze %dma_start3A_123 : memref<1x100xf32, #tpu.memory_space<vmem>> -> memref<100xf32, #tpu.memory_space<vmem>>
    %dma_start3A_125 = arith.constant 0 : i32
    %dma_start3A_126 = tpu.memref_slice %arg5[%dma_start3A_120, %dma_start3A_125] : memref<16x100xi32, #tpu.memory_space<vmem>> -> memref<1x100xi32, #tpu.memory_space<vmem>>
    %dma_start3A_127 = tpu.memref_squeeze %dma_start3A_126 : memref<1x100xi32, #tpu.memory_space<vmem>> -> memref<100xi32, #tpu.memory_space<vmem>>
    %dma_start3A_128 = arith.constant 0 : i32
    %dma_start3A_129 = tpu.memref_slice %arg2[%dma_start3A_128] : memref<25600000xf32, #tpu.memory_space<hbm>> -> memref<25600000xf32, #tpu.memory_space<hbm>>
    tpu.enqueue_indirect_dma source(%dma_start3A_129 : memref<25600000xf32, #tpu.memory_space<hbm>>) target(%dma_start3A_124 : memref<100xf32, #tpu.memory_space<vmem>>) offsets(%dma_start3A_127 : memref<100xi32, #tpu.memory_space<vmem>>) semaphore(%arg7 : memref<!tpu.dma_semaphore, #tpu.memory_space<semaphore_mem>>)
    %dma_start3A_130 = arith.constant 13 : i32
    %dma_start3A_131 = arith.constant 13 : i32
    %dma_start3A_132 = arith.constant 0 : i32
    %dma_start3A_133 = tpu.memref_slice %arg6[%dma_start3A_131, %dma_start3A_132] : memref<16x100xf32, #tpu.memory_space<vmem>> -> memref<1x100xf32, #tpu.memory_space<vmem>>
    %dma_start3A_134 = tpu.memref_squeeze %dma_start3A_133 : memref<1x100xf32, #tpu.memory_space<vmem>> -> memref<100xf32, #tpu.memory_space<vmem>>
    %dma_start3A_135 = arith.constant 0 : i32
    %dma_start3A_136 = tpu.memref_slice %arg5[%dma_start3A_130, %dma_start3A_135] : memref<16x100xi32, #tpu.memory_space<vmem>> -> memref<1x100xi32, #tpu.memory_space<vmem>>
    %dma_start3A_137 = tpu.memref_squeeze %dma_start3A_136 : memref<1x100xi32, #tpu.memory_space<vmem>> -> memref<100xi32, #tpu.memory_space<vmem>>
    %dma_start3A_138 = arith.constant 0 : i32
    %dma_start3A_139 = tpu.memref_slice %arg2[%dma_start3A_138] : memref<25600000xf32, #tpu.memory_space<hbm>> -> memref<25600000xf32, #tpu.memory_space<hbm>>
    tpu.enqueue_indirect_dma source(%dma_start3A_139 : memref<25600000xf32, #tpu.memory_space<hbm>>) target(%dma_start3A_134 : memref<100xf32, #tpu.memory_space<vmem>>) offsets(%dma_start3A_137 : memref<100xi32, #tpu.memory_space<vmem>>) semaphore(%arg7 : memref<!tpu.dma_semaphore, #tpu.memory_space<semaphore_mem>>)
    %dma_start3A_140 = arith.constant 14 : i32
    %dma_start3A_141 = arith.constant 14 : i32
    %dma_start3A_142 = arith.constant 0 : i32
    %dma_start3A_143 = tpu.memref_slice %arg6[%dma_start3A_141, %dma_start3A_142] : memref<16x100xf32, #tpu.memory_space<vmem>> -> memref<1x100xf32, #tpu.memory_space<vmem>>
    %dma_start3A_144 = tpu.memref_squeeze %dma_start3A_143 : memref<1x100xf32, #tpu.memory_space<vmem>> -> memref<100xf32, #tpu.memory_space<vmem>>
    %dma_start3A_145 = arith.constant 0 : i32
    %dma_start3A_146 = tpu.memref_slice %arg5[%dma_start3A_140, %dma_start3A_145] : memref<16x100xi32, #tpu.memory_space<vmem>> -> memref<1x100xi32, #tpu.memory_space<vmem>>
    %dma_start3A_147 = tpu.memref_squeeze %dma_start3A_146 : memref<1x100xi32, #tpu.memory_space<vmem>> -> memref<100xi32, #tpu.memory_space<vmem>>
    %dma_start3A_148 = arith.constant 0 : i32
    %dma_start3A_149 = tpu.memref_slice %arg2[%dma_start3A_148] : memref<25600000xf32, #tpu.memory_space<hbm>> -> memref<25600000xf32, #tpu.memory_space<hbm>>
    tpu.enqueue_indirect_dma source(%dma_start3A_149 : memref<25600000xf32, #tpu.memory_space<hbm>>) target(%dma_start3A_144 : memref<100xf32, #tpu.memory_space<vmem>>) offsets(%dma_start3A_147 : memref<100xi32, #tpu.memory_space<vmem>>) semaphore(%arg7 : memref<!tpu.dma_semaphore, #tpu.memory_space<semaphore_mem>>)
    %dma_start3A_150 = arith.constant 15 : i32
    %dma_start3A_151 = arith.constant 15 : i32
    %dma_start3A_152 = arith.constant 0 : i32
    %dma_start3A_153 = tpu.memref_slice %arg6[%dma_start3A_151, %dma_start3A_152] : memref<16x100xf32, #tpu.memory_space<vmem>> -> memref<1x100xf32, #tpu.memory_space<vmem>>
    %dma_start3A_154 = tpu.memref_squeeze %dma_start3A_153 : memref<1x100xf32, #tpu.memory_space<vmem>> -> memref<100xf32, #tpu.memory_space<vmem>>
    %dma_start3A_155 = arith.constant 0 : i32
    %dma_start3A_156 = tpu.memref_slice %arg5[%dma_start3A_150, %dma_start3A_155] : memref<16x100xi32, #tpu.memory_space<vmem>> -> memref<1x100xi32, #tpu.memory_space<vmem>>
    %dma_start3A_157 = tpu.memref_squeeze %dma_start3A_156 : memref<1x100xi32, #tpu.memory_space<vmem>> -> memref<100xi32, #tpu.memory_space<vmem>>
    %dma_start3A_158 = arith.constant 0 : i32
    %dma_start3A_159 = tpu.memref_slice %arg2[%dma_start3A_158] : memref<25600000xf32, #tpu.memory_space<hbm>> -> memref<25600000xf32, #tpu.memory_space<hbm>>
    tpu.enqueue_indirect_dma source(%dma_start3A_159 : memref<25600000xf32, #tpu.memory_space<hbm>>) target(%dma_start3A_154 : memref<100xf32, #tpu.memory_space<vmem>>) offsets(%dma_start3A_157 : memref<100xi32, #tpu.memory_space<vmem>>) semaphore(%arg7 : memref<!tpu.dma_semaphore, #tpu.memory_space<semaphore_mem>>)
    %dma_wait3A = arith.constant 0 : i32
    %dma_wait3A_160 = arith.constant 0 : i32
    %dma_wait3A_161 = arith.constant 0 : i32
    %dma_wait3A_162 = tpu.memref_slice %arg6[%dma_wait3A_160, %dma_wait3A_161] : memref<16x100xf32, #tpu.memory_space<vmem>> -> memref<1x100xf32, #tpu.memory_space<vmem>>
    %dma_wait3A_163 = tpu.memref_squeeze %dma_wait3A_162 : memref<1x100xf32, #tpu.memory_space<vmem>> -> memref<100xf32, #tpu.memory_space<vmem>>
    %dma_wait3A_164 = arith.constant 0 : i32
    %dma_wait3A_165 = tpu.memref_slice %arg5[%dma_wait3A, %dma_wait3A_164] : memref<16x100xi32, #tpu.memory_space<vmem>> -> memref<1x100xi32, #tpu.memory_space<vmem>>
    %dma_wait3A_166 = tpu.memref_squeeze %dma_wait3A_165 : memref<1x100xi32, #tpu.memory_space<vmem>> -> memref<100xi32, #tpu.memory_space<vmem>>
    %dma_wait3A_167 = arith.constant 0 : i32
    %dma_wait3A_168 = tpu.memref_slice %arg2[%dma_wait3A_167] : memref<25600000xf32, #tpu.memory_space<hbm>> -> memref<25600000xf32, #tpu.memory_space<hbm>>
    tpu.wait_indirect_dma semaphore(%arg7 : memref<!tpu.dma_semaphore, #tpu.memory_space<semaphore_mem>>) src(%dma_wait3A_168 : memref<25600000xf32, #tpu.memory_space<hbm>>) dst(%dma_wait3A_163 : memref<100xf32, #tpu.memory_space<vmem>>)
    %dma_wait3A_169 = arith.constant 1 : i32
    %dma_wait3A_170 = arith.constant 1 : i32
    %dma_wait3A_171 = arith.constant 0 : i32
    %dma_wait3A_172 = tpu.memref_slice %arg6[%dma_wait3A_170, %dma_wait3A_171] : memref<16x100xf32, #tpu.memory_space<vmem>> -> memref<1x100xf32, #tpu.memory_space<vmem>>
    %dma_wait3A_173 = tpu.memref_squeeze %dma_wait3A_172 : memref<1x100xf32, #tpu.memory_space<vmem>> -> memref<100xf32, #tpu.memory_space<vmem>>
    %dma_wait3A_174 = arith.constant 0 : i32
    %dma_wait3A_175 = tpu.memref_slice %arg5[%dma_wait3A_169, %dma_wait3A_174] : memref<16x100xi32, #tpu.memory_space<vmem>> -> memref<1x100xi32, #tpu.memory_space<vmem>>
    %dma_wait3A_176 = tpu.memref_squeeze %dma_wait3A_175 : memref<1x100xi32, #tpu.memory_space<vmem>> -> memref<100xi32, #tpu.memory_space<vmem>>
    %dma_wait3A_177 = arith.constant 0 : i32
    %dma_wait3A_178 = tpu.memref_slice %arg2[%dma_wait3A_177] : memref<25600000xf32, #tpu.memory_space<hbm>> -> memref<25600000xf32, #tpu.memory_space<hbm>>
    tpu.wait_indirect_dma semaphore(%arg7 : memref<!tpu.dma_semaphore, #tpu.memory_space<semaphore_mem>>) src(%dma_wait3A_178 : memref<25600000xf32, #tpu.memory_space<hbm>>) dst(%dma_wait3A_173 : memref<100xf32, #tpu.memory_space<vmem>>)
    %dma_wait3A_179 = arith.constant 2 : i32
    %dma_wait3A_180 = arith.constant 2 : i32
    %dma_wait3A_181 = arith.constant 0 : i32
    %dma_wait3A_182 = tpu.memref_slice %arg6[%dma_wait3A_180, %dma_wait3A_181] : memref<16x100xf32, #tpu.memory_space<vmem>> -> memref<1x100xf32, #tpu.memory_space<vmem>>
    %dma_wait3A_183 = tpu.memref_squeeze %dma_wait3A_182 : memref<1x100xf32, #tpu.memory_space<vmem>> -> memref<100xf32, #tpu.memory_space<vmem>>
    %dma_wait3A_184 = arith.constant 0 : i32
    %dma_wait3A_185 = tpu.memref_slice %arg5[%dma_wait3A_179, %dma_wait3A_184] : memref<16x100xi32, #tpu.memory_space<vmem>> -> memref<1x100xi32, #tpu.memory_space<vmem>>
    %dma_wait3A_186 = tpu.memref_squeeze %dma_wait3A_185 : memref<1x100xi32, #tpu.memory_space<vmem>> -> memref<100xi32, #tpu.memory_space<vmem>>
    %dma_wait3A_187 = arith.constant 0 : i32
    %dma_wait3A_188 = tpu.memref_slice %arg2[%dma_wait3A_187] : memref<25600000xf32, #tpu.memory_space<hbm>> -> memref<25600000xf32, #tpu.memory_space<hbm>>
    tpu.wait_indirect_dma semaphore(%arg7 : memref<!tpu.dma_semaphore, #tpu.memory_space<semaphore_mem>>) src(%dma_wait3A_188 : memref<25600000xf32, #tpu.memory_space<hbm>>) dst(%dma_wait3A_183 : memref<100xf32, #tpu.memory_space<vmem>>)
    %dma_wait3A_189 = arith.constant 3 : i32
    %dma_wait3A_190 = arith.constant 3 : i32
    %dma_wait3A_191 = arith.constant 0 : i32
    %dma_wait3A_192 = tpu.memref_slice %arg6[%dma_wait3A_190, %dma_wait3A_191] : memref<16x100xf32, #tpu.memory_space<vmem>> -> memref<1x100xf32, #tpu.memory_space<vmem>>
    %dma_wait3A_193 = tpu.memref_squeeze %dma_wait3A_192 : memref<1x100xf32, #tpu.memory_space<vmem>> -> memref<100xf32, #tpu.memory_space<vmem>>
    %dma_wait3A_194 = arith.constant 0 : i32
    %dma_wait3A_195 = tpu.memref_slice %arg5[%dma_wait3A_189, %dma_wait3A_194] : memref<16x100xi32, #tpu.memory_space<vmem>> -> memref<1x100xi32, #tpu.memory_space<vmem>>
    %dma_wait3A_196 = tpu.memref_squeeze %dma_wait3A_195 : memref<1x100xi32, #tpu.memory_space<vmem>> -> memref<100xi32, #tpu.memory_space<vmem>>
    %dma_wait3A_197 = arith.constant 0 : i32
    %dma_wait3A_198 = tpu.memref_slice %arg2[%dma_wait3A_197] : memref<25600000xf32, #tpu.memory_space<hbm>> -> memref<25600000xf32, #tpu.memory_space<hbm>>
    tpu.wait_indirect_dma semaphore(%arg7 : memref<!tpu.dma_semaphore, #tpu.memory_space<semaphore_mem>>) src(%dma_wait3A_198 : memref<25600000xf32, #tpu.memory_space<hbm>>) dst(%dma_wait3A_193 : memref<100xf32, #tpu.memory_space<vmem>>)
    %dma_wait3A_199 = arith.constant 4 : i32
    %dma_wait3A_200 = arith.constant 4 : i32
    %dma_wait3A_201 = arith.constant 0 : i32
    %dma_wait3A_202 = tpu.memref_slice %arg6[%dma_wait3A_200, %dma_wait3A_201] : memref<16x100xf32, #tpu.memory_space<vmem>> -> memref<1x100xf32, #tpu.memory_space<vmem>>
    %dma_wait3A_203 = tpu.memref_squeeze %dma_wait3A_202 : memref<1x100xf32, #tpu.memory_space<vmem>> -> memref<100xf32, #tpu.memory_space<vmem>>
    %dma_wait3A_204 = arith.constant 0 : i32
    %dma_wait3A_205 = tpu.memref_slice %arg5[%dma_wait3A_199, %dma_wait3A_204] : memref<16x100xi32, #tpu.memory_space<vmem>> -> memref<1x100xi32, #tpu.memory_space<vmem>>
    %dma_wait3A_206 = tpu.memref_squeeze %dma_wait3A_205 : memref<1x100xi32, #tpu.memory_space<vmem>> -> memref<100xi32, #tpu.memory_space<vmem>>
    %dma_wait3A_207 = arith.constant 0 : i32
    %dma_wait3A_208 = tpu.memref_slice %arg2[%dma_wait3A_207] : memref<25600000xf32, #tpu.memory_space<hbm>> -> memref<25600000xf32, #tpu.memory_space<hbm>>
    tpu.wait_indirect_dma semaphore(%arg7 : memref<!tpu.dma_semaphore, #tpu.memory_space<semaphore_mem>>) src(%dma_wait3A_208 : memref<25600000xf32, #tpu.memory_space<hbm>>) dst(%dma_wait3A_203 : memref<100xf32, #tpu.memory_space<vmem>>)
    %dma_wait3A_209 = arith.constant 5 : i32
    %dma_wait3A_210 = arith.constant 5 : i32
    %dma_wait3A_211 = arith.constant 0 : i32
    %dma_wait3A_212 = tpu.memref_slice %arg6[%dma_wait3A_210, %dma_wait3A_211] : memref<16x100xf32, #tpu.memory_space<vmem>> -> memref<1x100xf32, #tpu.memory_space<vmem>>
    %dma_wait3A_213 = tpu.memref_squeeze %dma_wait3A_212 : memref<1x100xf32, #tpu.memory_space<vmem>> -> memref<100xf32, #tpu.memory_space<vmem>>
    %dma_wait3A_214 = arith.constant 0 : i32
    %dma_wait3A_215 = tpu.memref_slice %arg5[%dma_wait3A_209, %dma_wait3A_214] : memref<16x100xi32, #tpu.memory_space<vmem>> -> memref<1x100xi32, #tpu.memory_space<vmem>>
    %dma_wait3A_216 = tpu.memref_squeeze %dma_wait3A_215 : memref<1x100xi32, #tpu.memory_space<vmem>> -> memref<100xi32, #tpu.memory_space<vmem>>
    %dma_wait3A_217 = arith.constant 0 : i32
    %dma_wait3A_218 = tpu.memref_slice %arg2[%dma_wait3A_217] : memref<25600000xf32, #tpu.memory_space<hbm>> -> memref<25600000xf32, #tpu.memory_space<hbm>>
    tpu.wait_indirect_dma semaphore(%arg7 : memref<!tpu.dma_semaphore, #tpu.memory_space<semaphore_mem>>) src(%dma_wait3A_218 : memref<25600000xf32, #tpu.memory_space<hbm>>) dst(%dma_wait3A_213 : memref<100xf32, #tpu.memory_space<vmem>>)
    %dma_wait3A_219 = arith.constant 6 : i32
    %dma_wait3A_220 = arith.constant 6 : i32
    %dma_wait3A_221 = arith.constant 0 : i32
    %dma_wait3A_222 = tpu.memref_slice %arg6[%dma_wait3A_220, %dma_wait3A_221] : memref<16x100xf32, #tpu.memory_space<vmem>> -> memref<1x100xf32, #tpu.memory_space<vmem>>
    %dma_wait3A_223 = tpu.memref_squeeze %dma_wait3A_222 : memref<1x100xf32, #tpu.memory_space<vmem>> -> memref<100xf32, #tpu.memory_space<vmem>>
    %dma_wait3A_224 = arith.constant 0 : i32
    %dma_wait3A_225 = tpu.memref_slice %arg5[%dma_wait3A_219, %dma_wait3A_224] : memref<16x100xi32, #tpu.memory_space<vmem>> -> memref<1x100xi32, #tpu.memory_space<vmem>>
    %dma_wait3A_226 = tpu.memref_squeeze %dma_wait3A_225 : memref<1x100xi32, #tpu.memory_space<vmem>> -> memref<100xi32, #tpu.memory_space<vmem>>
    %dma_wait3A_227 = arith.constant 0 : i32
    %dma_wait3A_228 = tpu.memref_slice %arg2[%dma_wait3A_227] : memref<25600000xf32, #tpu.memory_space<hbm>> -> memref<25600000xf32, #tpu.memory_space<hbm>>
    tpu.wait_indirect_dma semaphore(%arg7 : memref<!tpu.dma_semaphore, #tpu.memory_space<semaphore_mem>>) src(%dma_wait3A_228 : memref<25600000xf32, #tpu.memory_space<hbm>>) dst(%dma_wait3A_223 : memref<100xf32, #tpu.memory_space<vmem>>)
    %dma_wait3A_229 = arith.constant 7 : i32
    %dma_wait3A_230 = arith.constant 7 : i32
    %dma_wait3A_231 = arith.constant 0 : i32
    %dma_wait3A_232 = tpu.memref_slice %arg6[%dma_wait3A_230, %dma_wait3A_231] : memref<16x100xf32, #tpu.memory_space<vmem>> -> memref<1x100xf32, #tpu.memory_space<vmem>>
    %dma_wait3A_233 = tpu.memref_squeeze %dma_wait3A_232 : memref<1x100xf32, #tpu.memory_space<vmem>> -> memref<100xf32, #tpu.memory_space<vmem>>
    %dma_wait3A_234 = arith.constant 0 : i32
    %dma_wait3A_235 = tpu.memref_slice %arg5[%dma_wait3A_229, %dma_wait3A_234] : memref<16x100xi32, #tpu.memory_space<vmem>> -> memref<1x100xi32, #tpu.memory_space<vmem>>
    %dma_wait3A_236 = tpu.memref_squeeze %dma_wait3A_235 : memref<1x100xi32, #tpu.memory_space<vmem>> -> memref<100xi32, #tpu.memory_space<vmem>>
    %dma_wait3A_237 = arith.constant 0 : i32
    %dma_wait3A_238 = tpu.memref_slice %arg2[%dma_wait3A_237] : memref<25600000xf32, #tpu.memory_space<hbm>> -> memref<25600000xf32, #tpu.memory_space<hbm>>
    tpu.wait_indirect_dma semaphore(%arg7 : memref<!tpu.dma_semaphore, #tpu.memory_space<semaphore_mem>>) src(%dma_wait3A_238 : memref<25600000xf32, #tpu.memory_space<hbm>>) dst(%dma_wait3A_233 : memref<100xf32, #tpu.memory_space<vmem>>)
    %dma_wait3A_239 = arith.constant 8 : i32
    %dma_wait3A_240 = arith.constant 8 : i32
    %dma_wait3A_241 = arith.constant 0 : i32
    %dma_wait3A_242 = tpu.memref_slice %arg6[%dma_wait3A_240, %dma_wait3A_241] : memref<16x100xf32, #tpu.memory_space<vmem>> -> memref<1x100xf32, #tpu.memory_space<vmem>>
    %dma_wait3A_243 = tpu.memref_squeeze %dma_wait3A_242 : memref<1x100xf32, #tpu.memory_space<vmem>> -> memref<100xf32, #tpu.memory_space<vmem>>
    %dma_wait3A_244 = arith.constant 0 : i32
    %dma_wait3A_245 = tpu.memref_slice %arg5[%dma_wait3A_239, %dma_wait3A_244] : memref<16x100xi32, #tpu.memory_space<vmem>> -> memref<1x100xi32, #tpu.memory_space<vmem>>
    %dma_wait3A_246 = tpu.memref_squeeze %dma_wait3A_245 : memref<1x100xi32, #tpu.memory_space<vmem>> -> memref<100xi32, #tpu.memory_space<vmem>>
    %dma_wait3A_247 = arith.constant 0 : i32
    %dma_wait3A_248 = tpu.memref_slice %arg2[%dma_wait3A_247] : memref<25600000xf32, #tpu.memory_space<hbm>> -> memref<25600000xf32, #tpu.memory_space<hbm>>
    tpu.wait_indirect_dma semaphore(%arg7 : memref<!tpu.dma_semaphore, #tpu.memory_space<semaphore_mem>>) src(%dma_wait3A_248 : memref<25600000xf32, #tpu.memory_space<hbm>>) dst(%dma_wait3A_243 : memref<100xf32, #tpu.memory_space<vmem>>)
    %dma_wait3A_249 = arith.constant 9 : i32
    %dma_wait3A_250 = arith.constant 9 : i32
    %dma_wait3A_251 = arith.constant 0 : i32
    %dma_wait3A_252 = tpu.memref_slice %arg6[%dma_wait3A_250, %dma_wait3A_251] : memref<16x100xf32, #tpu.memory_space<vmem>> -> memref<1x100xf32, #tpu.memory_space<vmem>>
    %dma_wait3A_253 = tpu.memref_squeeze %dma_wait3A_252 : memref<1x100xf32, #tpu.memory_space<vmem>> -> memref<100xf32, #tpu.memory_space<vmem>>
    %dma_wait3A_254 = arith.constant 0 : i32
    %dma_wait3A_255 = tpu.memref_slice %arg5[%dma_wait3A_249, %dma_wait3A_254] : memref<16x100xi32, #tpu.memory_space<vmem>> -> memref<1x100xi32, #tpu.memory_space<vmem>>
    %dma_wait3A_256 = tpu.memref_squeeze %dma_wait3A_255 : memref<1x100xi32, #tpu.memory_space<vmem>> -> memref<100xi32, #tpu.memory_space<vmem>>
    %dma_wait3A_257 = arith.constant 0 : i32
    %dma_wait3A_258 = tpu.memref_slice %arg2[%dma_wait3A_257] : memref<25600000xf32, #tpu.memory_space<hbm>> -> memref<25600000xf32, #tpu.memory_space<hbm>>
    tpu.wait_indirect_dma semaphore(%arg7 : memref<!tpu.dma_semaphore, #tpu.memory_space<semaphore_mem>>) src(%dma_wait3A_258 : memref<25600000xf32, #tpu.memory_space<hbm>>) dst(%dma_wait3A_253 : memref<100xf32, #tpu.memory_space<vmem>>)
    %dma_wait3A_259 = arith.constant 10 : i32
    %dma_wait3A_260 = arith.constant 10 : i32
    %dma_wait3A_261 = arith.constant 0 : i32
    %dma_wait3A_262 = tpu.memref_slice %arg6[%dma_wait3A_260, %dma_wait3A_261] : memref<16x100xf32, #tpu.memory_space<vmem>> -> memref<1x100xf32, #tpu.memory_space<vmem>>
    %dma_wait3A_263 = tpu.memref_squeeze %dma_wait3A_262 : memref<1x100xf32, #tpu.memory_space<vmem>> -> memref<100xf32, #tpu.memory_space<vmem>>
    %dma_wait3A_264 = arith.constant 0 : i32
    %dma_wait3A_265 = tpu.memref_slice %arg5[%dma_wait3A_259, %dma_wait3A_264] : memref<16x100xi32, #tpu.memory_space<vmem>> -> memref<1x100xi32, #tpu.memory_space<vmem>>
    %dma_wait3A_266 = tpu.memref_squeeze %dma_wait3A_265 : memref<1x100xi32, #tpu.memory_space<vmem>> -> memref<100xi32, #tpu.memory_space<vmem>>
    %dma_wait3A_267 = arith.constant 0 : i32
    %dma_wait3A_268 = tpu.memref_slice %arg2[%dma_wait3A_267] : memref<25600000xf32, #tpu.memory_space<hbm>> -> memref<25600000xf32, #tpu.memory_space<hbm>>
    tpu.wait_indirect_dma semaphore(%arg7 : memref<!tpu.dma_semaphore, #tpu.memory_space<semaphore_mem>>) src(%dma_wait3A_268 : memref<25600000xf32, #tpu.memory_space<hbm>>) dst(%dma_wait3A_263 : memref<100xf32, #tpu.memory_space<vmem>>)
    %dma_wait3A_269 = arith.constant 11 : i32
    %dma_wait3A_270 = arith.constant 11 : i32
    %dma_wait3A_271 = arith.constant 0 : i32
    %dma_wait3A_272 = tpu.memref_slice %arg6[%dma_wait3A_270, %dma_wait3A_271] : memref<16x100xf32, #tpu.memory_space<vmem>> -> memref<1x100xf32, #tpu.memory_space<vmem>>
    %dma_wait3A_273 = tpu.memref_squeeze %dma_wait3A_272 : memref<1x100xf32, #tpu.memory_space<vmem>> -> memref<100xf32, #tpu.memory_space<vmem>>
    %dma_wait3A_274 = arith.constant 0 : i32
    %dma_wait3A_275 = tpu.memref_slice %arg5[%dma_wait3A_269, %dma_wait3A_274] : memref<16x100xi32, #tpu.memory_space<vmem>> -> memref<1x100xi32, #tpu.memory_space<vmem>>
    %dma_wait3A_276 = tpu.memref_squeeze %dma_wait3A_275 : memref<1x100xi32, #tpu.memory_space<vmem>> -> memref<100xi32, #tpu.memory_space<vmem>>
    %dma_wait3A_277 = arith.constant 0 : i32
    %dma_wait3A_278 = tpu.memref_slice %arg2[%dma_wait3A_277] : memref<25600000xf32, #tpu.memory_space<hbm>> -> memref<25600000xf32, #tpu.memory_space<hbm>>
    tpu.wait_indirect_dma semaphore(%arg7 : memref<!tpu.dma_semaphore, #tpu.memory_space<semaphore_mem>>) src(%dma_wait3A_278 : memref<25600000xf32, #tpu.memory_space<hbm>>) dst(%dma_wait3A_273 : memref<100xf32, #tpu.memory_space<vmem>>)
    %dma_wait3A_279 = arith.constant 12 : i32
    %dma_wait3A_280 = arith.constant 12 : i32
    %dma_wait3A_281 = arith.constant 0 : i32
    %dma_wait3A_282 = tpu.memref_slice %arg6[%dma_wait3A_280, %dma_wait3A_281] : memref<16x100xf32, #tpu.memory_space<vmem>> -> memref<1x100xf32, #tpu.memory_space<vmem>>
    %dma_wait3A_283 = tpu.memref_squeeze %dma_wait3A_282 : memref<1x100xf32, #tpu.memory_space<vmem>> -> memref<100xf32, #tpu.memory_space<vmem>>
    %dma_wait3A_284 = arith.constant 0 : i32
    %dma_wait3A_285 = tpu.memref_slice %arg5[%dma_wait3A_279, %dma_wait3A_284] : memref<16x100xi32, #tpu.memory_space<vmem>> -> memref<1x100xi32, #tpu.memory_space<vmem>>
    %dma_wait3A_286 = tpu.memref_squeeze %dma_wait3A_285 : memref<1x100xi32, #tpu.memory_space<vmem>> -> memref<100xi32, #tpu.memory_space<vmem>>
    %dma_wait3A_287 = arith.constant 0 : i32
    %dma_wait3A_288 = tpu.memref_slice %arg2[%dma_wait3A_287] : memref<25600000xf32, #tpu.memory_space<hbm>> -> memref<25600000xf32, #tpu.memory_space<hbm>>
    tpu.wait_indirect_dma semaphore(%arg7 : memref<!tpu.dma_semaphore, #tpu.memory_space<semaphore_mem>>) src(%dma_wait3A_288 : memref<25600000xf32, #tpu.memory_space<hbm>>) dst(%dma_wait3A_283 : memref<100xf32, #tpu.memory_space<vmem>>)
    %dma_wait3A_289 = arith.constant 13 : i32
    %dma_wait3A_290 = arith.constant 13 : i32
    %dma_wait3A_291 = arith.constant 0 : i32
    %dma_wait3A_292 = tpu.memref_slice %arg6[%dma_wait3A_290, %dma_wait3A_291] : memref<16x100xf32, #tpu.memory_space<vmem>> -> memref<1x100xf32, #tpu.memory_space<vmem>>
    %dma_wait3A_293 = tpu.memref_squeeze %dma_wait3A_292 : memref<1x100xf32, #tpu.memory_space<vmem>> -> memref<100xf32, #tpu.memory_space<vmem>>
    %dma_wait3A_294 = arith.constant 0 : i32
    %dma_wait3A_295 = tpu.memref_slice %arg5[%dma_wait3A_289, %dma_wait3A_294] : memref<16x100xi32, #tpu.memory_space<vmem>> -> memref<1x100xi32, #tpu.memory_space<vmem>>
    %dma_wait3A_296 = tpu.memref_squeeze %dma_wait3A_295 : memref<1x100xi32, #tpu.memory_space<vmem>> -> memref<100xi32, #tpu.memory_space<vmem>>
    %dma_wait3A_297 = arith.constant 0 : i32
    %dma_wait3A_298 = tpu.memref_slice %arg2[%dma_wait3A_297] : memref<25600000xf32, #tpu.memory_space<hbm>> -> memref<25600000xf32, #tpu.memory_space<hbm>>
    tpu.wait_indirect_dma semaphore(%arg7 : memref<!tpu.dma_semaphore, #tpu.memory_space<semaphore_mem>>) src(%dma_wait3A_298 : memref<25600000xf32, #tpu.memory_space<hbm>>) dst(%dma_wait3A_293 : memref<100xf32, #tpu.memory_space<vmem>>)
    %dma_wait3A_299 = arith.constant 14 : i32
    %dma_wait3A_300 = arith.constant 14 : i32
    %dma_wait3A_301 = arith.constant 0 : i32
    %dma_wait3A_302 = tpu.memref_slice %arg6[%dma_wait3A_300, %dma_wait3A_301] : memref<16x100xf32, #tpu.memory_space<vmem>> -> memref<1x100xf32, #tpu.memory_space<vmem>>
    %dma_wait3A_303 = tpu.memref_squeeze %dma_wait3A_302 : memref<1x100xf32, #tpu.memory_space<vmem>> -> memref<100xf32, #tpu.memory_space<vmem>>
    %dma_wait3A_304 = arith.constant 0 : i32
    %dma_wait3A_305 = tpu.memref_slice %arg5[%dma_wait3A_299, %dma_wait3A_304] : memref<16x100xi32, #tpu.memory_space<vmem>> -> memref<1x100xi32, #tpu.memory_space<vmem>>
    %dma_wait3A_306 = tpu.memref_squeeze %dma_wait3A_305 : memref<1x100xi32, #tpu.memory_space<vmem>> -> memref<100xi32, #tpu.memory_space<vmem>>
    %dma_wait3A_307 = arith.constant 0 : i32
    %dma_wait3A_308 = tpu.memref_slice %arg2[%dma_wait3A_307] : memref<25600000xf32, #tpu.memory_space<hbm>> -> memref<25600000xf32, #tpu.memory_space<hbm>>
    tpu.wait_indirect_dma semaphore(%arg7 : memref<!tpu.dma_semaphore, #tpu.memory_space<semaphore_mem>>) src(%dma_wait3A_308 : memref<25600000xf32, #tpu.memory_space<hbm>>) dst(%dma_wait3A_303 : memref<100xf32, #tpu.memory_space<vmem>>)
    %dma_wait3A_309 = arith.constant 15 : i32
    %dma_wait3A_310 = arith.constant 15 : i32
    %dma_wait3A_311 = arith.constant 0 : i32
    %dma_wait3A_312 = tpu.memref_slice %arg6[%dma_wait3A_310, %dma_wait3A_311] : memref<16x100xf32, #tpu.memory_space<vmem>> -> memref<1x100xf32, #tpu.memory_space<vmem>>
    %dma_wait3A_313 = tpu.memref_squeeze %dma_wait3A_312 : memref<1x100xf32, #tpu.memory_space<vmem>> -> memref<100xf32, #tpu.memory_space<vmem>>
    %dma_wait3A_314 = arith.constant 0 : i32
    %dma_wait3A_315 = tpu.memref_slice %arg5[%dma_wait3A_309, %dma_wait3A_314] : memref<16x100xi32, #tpu.memory_space<vmem>> -> memref<1x100xi32, #tpu.memory_space<vmem>>
    %dma_wait3A_316 = tpu.memref_squeeze %dma_wait3A_315 : memref<1x100xi32, #tpu.memory_space<vmem>> -> memref<100xi32, #tpu.memory_space<vmem>>
    %dma_wait3A_317 = arith.constant 0 : i32
    %dma_wait3A_318 = tpu.memref_slice %arg2[%dma_wait3A_317] : memref<25600000xf32, #tpu.memory_space<hbm>> -> memref<25600000xf32, #tpu.memory_space<hbm>>
    tpu.wait_indirect_dma semaphore(%arg7 : memref<!tpu.dma_semaphore, #tpu.memory_space<semaphore_mem>>) src(%dma_wait3A_318 : memref<25600000xf32, #tpu.memory_space<hbm>>) dst(%dma_wait3A_313 : memref<100xf32, #tpu.memory_space<vmem>>)
    "tpu.region"() ({
      %run_scoped3A = tpu.sem_alloc : memref<!tpu.dma_semaphore, #tpu.memory_space<semaphore_mem>>
      %dma_start3A_319 = arith.constant 0 : i32
      %dma_start3A_320 = arith.constant 0 : i32
      %dma_start3A_321 = tpu.memref_slice %arg4[%add3A, %dma_start3A_319, %dma_start3A_320] : memref<32x16x100xf32, #tpu.memory_space<hbm>> -> memref<1x16x100xf32, #tpu.memory_space<hbm>>
      %dma_start3A_322 = tpu.memref_squeeze %dma_start3A_321 : memref<1x16x100xf32, #tpu.memory_space<hbm>> -> memref<16x100xf32, #tpu.memory_space<hbm>>
      %dma_start3A_323 = arith.constant 0 : i32
      %dma_start3A_324 = arith.constant 0 : i32
      %dma_start3A_325 = tpu.memref_slice %arg4[%add3A, %dma_start3A_323, %dma_start3A_324] : memref<32x16x100xf32, #tpu.memory_space<hbm>> -> memref<1x16x100xf32, #tpu.memory_space<hbm>>
      %dma_start3A_326 = tpu.memref_squeeze %dma_start3A_325 : memref<1x16x100xf32, #tpu.memory_space<hbm>> -> memref<16x100xf32, #tpu.memory_space<hbm>>
      tpu.enqueue_dma source(%arg6 : memref<16x100xf32, #tpu.memory_space<vmem>>) target(%dma_start3A_326 : memref<16x100xf32, #tpu.memory_space<hbm>>) target_semaphore(%run_scoped3A : memref<!tpu.dma_semaphore, #tpu.memory_space<semaphore_mem>>)
      %dma_wait3A_327 = arith.constant 0 : i32
      %dma_wait3A_328 = arith.constant 0 : i32
      %dma_wait3A_329 = tpu.memref_slice %arg4[%add3A, %dma_wait3A_327, %dma_wait3A_328] : memref<32x16x100xf32, #tpu.memory_space<hbm>> -> memref<1x16x100xf32, #tpu.memory_space<hbm>>
      %dma_wait3A_330 = tpu.memref_squeeze %dma_wait3A_329 : memref<1x16x100xf32, #tpu.memory_space<hbm>> -> memref<16x100xf32, #tpu.memory_space<hbm>>
      %dma_wait3A_331 = arith.constant 0 : i32
      %dma_wait3A_332 = arith.constant 0 : i32
      %dma_wait3A_333 = tpu.memref_slice %arg4[%add3A, %dma_wait3A_331, %dma_wait3A_332] : memref<32x16x100xf32, #tpu.memory_space<hbm>> -> memref<1x16x100xf32, #tpu.memory_space<hbm>>
      %dma_wait3A_334 = tpu.memref_squeeze %dma_wait3A_333 : memref<1x16x100xf32, #tpu.memory_space<hbm>> -> memref<16x100xf32, #tpu.memory_space<hbm>>
      tpu.wait_dma2 semaphore(%run_scoped3A : memref<!tpu.dma_semaphore, #tpu.memory_space<semaphore_mem>>) src(%arg6 : memref<16x100xf32, #tpu.memory_space<vmem>>) dst(%dma_wait3A_334 : memref<16x100xf32, #tpu.memory_space<hbm>>)
      tpu.yield
    }) : () -> ()
    return
  }
}

module attributes {stable_mosaic.version = 14 : i64} {
  func.func @_tc_main_body(%arg0: i32, %arg1: memref<16x100000xf32, #tpu.memory_space<vmem>>, %arg2: memref<1x100000xf32, #tpu.memory_space<vmem>>, %arg3: memref<1x1xf32, #tpu.memory_space<vmem>>, %arg4: memref<16x100000xf32, #tpu.memory_space<vmem>>, %arg5: memref<16x8xf32, #tpu.memory_space<vmem>>) attributes {dimension_semantics = [#tpu.dimension_semantics<arbitrary>], iteration_bounds = array<i64: 16>, scalar_prefetch = 0 : i64, scratch_operands = 0 : i64, tpu.core_type = #tpu.core_type<tc>, window_params = [{transform_indices = @transform_0, window_bounds = array<i64: 16, 100000>}, {pipeline_mode = #tpu.pipeline_mode<synchronous>, transform_indices = @transform_1, window_bounds = array<i64: 1, 100000>}, {pipeline_mode = #tpu.pipeline_mode<synchronous>, transform_indices = @transform_2, window_bounds = array<i64: 1, 1>}, {transform_indices = @transform_3, window_bounds = array<i64: 16, 100000>}, {transform_indices = @transform_4, window_bounds = array<i64: 16, 8>}]} {
    %get3A = arith.constant 0 : index
    %get3A_0 = arith.constant 0 : index
    %get3A_1 = vector.load %arg1[%get3A, %get3A_0] : memref<16x100000xf32, #tpu.memory_space<vmem>>, vector<16x100000xf32>
    %get3A_2 = arith.constant 0 : index
    %get3A_3 = arith.constant 0 : index
    %get3A_4 = vector.load %arg2[%get3A_2, %get3A_3] : memref<1x100000xf32, #tpu.memory_space<vmem>>, vector<1x100000xf32>
    %reduce_max3A = arith.constant dense<0xFF800000> : vector<16xf32>
    %reduce_max3A_5 = vector.multi_reduction <maximumf>, %get3A_1, %reduce_max3A [1] : vector<16x100000xf32> to vector<16xf32>
    %broadcast_in_dim3A = vector.shape_cast %reduce_max3A_5 : vector<16xf32> to vector<16x1xf32>
    %sub3A = vector.broadcast %broadcast_in_dim3A : vector<16x1xf32> to vector<16x100000xf32>
    %sub3A_6 = arith.subf %get3A_1, %sub3A : vector<16x100000xf32>
    %exp3A = math.exp %sub3A_6 : vector<16x100000xf32>
    %reduce_sum3A = arith.constant dense<0.000000e+00> : vector<16xf32>
    %reduce_sum3A_7 = vector.multi_reduction <add>, %exp3A, %reduce_sum3A [1] : vector<16x100000xf32> to vector<16xf32>
    %broadcast_in_dim3A_8 = vector.shape_cast %reduce_sum3A_7 : vector<16xf32> to vector<16x1xf32>
    %mul3A = vector.broadcast %get3A_4 : vector<1x100000xf32> to vector<16x100000xf32>
    %mul3A_9 = arith.mulf %get3A_1, %mul3A : vector<16x100000xf32>
    %reduce_sum3A_10 = arith.constant dense<0.000000e+00> : vector<16xf32>
    %reduce_sum3A_11 = vector.multi_reduction <add>, %mul3A_9, %reduce_sum3A_10 [1] : vector<16x100000xf32> to vector<16xf32>
    %broadcast_in_dim3A_12 = vector.shape_cast %reduce_sum3A_11 : vector<16xf32> to vector<16x1xf32>
    %get3A_13 = arith.constant 0 : index
    %get3A_14 = arith.constant 0 : index
    %get3A_15 = vector.load %arg3[%get3A_13, %get3A_14] : memref<1x1xf32, #tpu.memory_space<vmem>>, vector<1x1xf32>
    %get3A_16 = vector.extract %get3A_15[0, 0] : f32 from vector<1x1xf32>
    %add3A = vector.broadcast %get3A_16 : f32 to vector<16x1xf32>
    %add3A_17 = arith.addf %broadcast_in_dim3A_12, %add3A : vector<16x1xf32>
    %logistic3A = arith.negf %add3A_17 : vector<16x1xf32>
    %logistic3A_18 = math.exp %logistic3A : vector<16x1xf32>
    %logistic3A_19 = arith.constant 1.000000e+00 : f32
    %logistic3A_20 = vector.broadcast %logistic3A_19 : f32 to vector<16x1xf32>
    %logistic3A_21 = arith.addf %logistic3A_20, %logistic3A_18 : vector<16x1xf32>
    %logistic3A_22 = arith.divf %logistic3A_20, %logistic3A_21 : vector<16x1xf32>
    %sub3A_23 = arith.constant 1.000000e+00 : f32
    %sub3A_24 = vector.broadcast %sub3A_23 : f32 to vector<16x1xf32>
    %sub3A_25 = arith.subf %sub3A_24, %logistic3A_22 : vector<16x1xf32>
    %div3A = vector.broadcast %broadcast_in_dim3A_8 : vector<16x1xf32> to vector<16x100000xf32>
    %div3A_26 = arith.divf %exp3A, %div3A : vector<16x100000xf32>
    %mul3A_27 = vector.broadcast %sub3A_25 : vector<16x1xf32> to vector<16x100000xf32>
    %mul3A_28 = arith.mulf %mul3A_27, %div3A_26 : vector<16x100000xf32>
    %add3A_29 = arith.constant 1.000000e-10 : f32
    %add3A_30 = vector.broadcast %add3A_29 : f32 to vector<16x100000xf32>
    %add3A_31 = arith.addf %mul3A_28, %add3A_30 : vector<16x100000xf32>
    %log3A = math.log %add3A_31 : vector<16x100000xf32>
    %swap3A = arith.constant 0 : index
    %swap3A_32 = arith.constant 0 : index
    %swap3A_33 = vector.load %arg4[%swap3A, %swap3A_32] : memref<16x100000xf32, #tpu.memory_space<vmem>>, vector<16x100000xf32>
    tpu.vector_store %arg4[%swap3A, %swap3A_32], %log3A {strides = array<i32>} : memref<16x100000xf32, #tpu.memory_space<vmem>>, vector<16x100000xf32>,
    %broadcast_in_dim3A_34 = arith.constant 0.000000e+00 : f32
    %broadcast_in_dim3A_35 = vector.broadcast %broadcast_in_dim3A_34 : f32 to vector<16x5xf32>
    %concatenate3A = tpu.concatenate %broadcast_in_dim3A, %broadcast_in_dim3A_8, %broadcast_in_dim3A_12, %broadcast_in_dim3A_35 in 1 : vector<16x1xf32>, vector<16x1xf32>, vector<16x1xf32>, vector<16x5xf32> -> vector<16x8xf32>
    %swap3A_36 = arith.constant 0 : index
    %swap3A_37 = arith.constant 0 : index
    %swap3A_38 = vector.load %arg5[%swap3A_36, %swap3A_37] : memref<16x8xf32, #tpu.memory_space<vmem>>, vector<16x8xf32>
    tpu.vector_store %arg5[%swap3A_36, %swap3A_37], %concatenate3A {strides = array<i32>} : memref<16x8xf32, #tpu.memory_space<vmem>>, vector<16x8xf32>,
    return
  }
  func.func @transform_0(%arg0: i32) -> (i32, i32) {
    %c0_i32 = arith.constant 0 : i32
    %c0_i32_0 = arith.constant 0 : i32
    return %arg0, %c0_i32 : i32, i32
  }
  func.func @transform_1(%arg0: i32) -> (i32, i32) {
    %c0_i32 = arith.constant 0 : i32
    %c0_i32_0 = arith.constant 0 : i32
    %c0_i32_1 = arith.constant 0 : i32
    return %c0_i32, %c0_i32_0 : i32, i32
  }
  func.func @transform_2(%arg0: i32) -> (i32, i32) {
    %c0_i32 = arith.constant 0 : i32
    %c0_i32_0 = arith.constant 0 : i32
    %c0_i32_1 = arith.constant 0 : i32
    return %c0_i32, %c0_i32_0 : i32, i32
  }
  func.func @transform_3(%arg0: i32) -> (i32, i32) {
    %c0_i32 = arith.constant 0 : i32
    %c0_i32_0 = arith.constant 0 : i32
    return %arg0, %c0_i32 : i32, i32
  }
  func.func @transform_4(%arg0: i32) -> (i32, i32) {
    %c0_i32 = arith.constant 0 : i32
    %c0_i32_0 = arith.constant 0 : i32
    return %arg0, %c0_i32 : i32, i32
  }
}

module attributes {stable_mosaic.version = 14 : i64} {
  func.func @_tc_fixup_body(%arg0: memref<8x32x200xf32, #tpu.memory_space<vmem>>, %arg1: memref<8x32x8xf32, #tpu.memory_space<vmem>>, %arg2: memref<8x32x200xf32, #tpu.memory_space<vmem>>, %arg3: memref<8x200xi32, #tpu.memory_space<vmem>>, %arg4: memref<1x1xf32, #tpu.memory_space<vmem>>, %arg5: memref<8x32x200xf32, #tpu.memory_space<vmem>>) attributes {dimension_semantics = [], scalar_prefetch = 0 : i64, scratch_operands = 0 : i64, tpu.core_type = #tpu.core_type<tc>} {
    %get3A = arith.constant 0 : index
    %get3A_0 = arith.constant 0 : index
    %get3A_1 = arith.constant 0 : index
    %get3A_2 = vector.load %arg1[%get3A, %get3A_0, %get3A_1] : memref<8x32x8xf32, #tpu.memory_space<vmem>>, vector<8x32x1xf32>
    %get3A_3 = arith.constant 0 : index
    %get3A_4 = arith.constant 0 : index
    %get3A_5 = arith.constant 1 : index
    %get3A_6 = vector.load %arg1[%get3A_3, %get3A_4, %get3A_5] : memref<8x32x8xf32, #tpu.memory_space<vmem>>, vector<8x32x1xf32>
    %get3A_7 = arith.constant 0 : index
    %get3A_8 = arith.constant 0 : index
    %get3A_9 = arith.constant 2 : index
    %get3A_10 = vector.load %arg1[%get3A_7, %get3A_8, %get3A_9] : memref<8x32x8xf32, #tpu.memory_space<vmem>>, vector<8x32x1xf32>
    %get3A_11 = arith.constant 0 : index
    %get3A_12 = arith.constant 0 : index
    %get3A_13 = vector.load %arg4[%get3A_11, %get3A_12] : memref<1x1xf32, #tpu.memory_space<vmem>>, vector<1x1xf32>
    %get3A_14 = vector.extract %get3A_13[0, 0] : f32 from vector<1x1xf32>
    %add3A = vector.broadcast %get3A_14 : f32 to vector<8x32x1xf32>
    %add3A_15 = arith.addf %get3A_10, %add3A : vector<8x32x1xf32>
    %logistic3A = arith.negf %add3A_15 : vector<8x32x1xf32>
    %logistic3A_16 = math.exp %logistic3A : vector<8x32x1xf32>
    %logistic3A_17 = arith.constant 1.000000e+00 : f32
    %logistic3A_18 = vector.broadcast %logistic3A_17 : f32 to vector<8x32x1xf32>
    %logistic3A_19 = arith.addf %logistic3A_18, %logistic3A_16 : vector<8x32x1xf32>
    %logistic3A_20 = arith.divf %logistic3A_18, %logistic3A_19 : vector<8x32x1xf32>
    %iota3A = tpu.iota {dimensions = array<i32: 2>} : vector<8x32x200xi32>
    %lt3A = arith.constant 200 : i32
    %lt3A_21 = vector.broadcast %lt3A : i32 to vector<8x32x200xi32>
    %lt3A_22 = arith.cmpi slt, %iota3A, %lt3A_21 : vector<8x32x200xi32>
    %get3A_23 = arith.constant 0 : index
    %get3A_24 = arith.constant 0 : index
    %get3A_25 = arith.constant 0 : index
    %get3A_26 = vector.load %arg2[%get3A_23, %get3A_24, %get3A_25] : memref<8x32x200xf32, #tpu.memory_space<vmem>>, vector<8x32x200xf32>
    %mul3A = vector.broadcast %logistic3A_20 : vector<8x32x1xf32> to vector<8x32x200xf32>
    %mul3A_27 = arith.mulf %mul3A, %get3A_26 : vector<8x32x200xf32>
    %jit3A = arith.constant 0.000000e+00 : f32
    %broadcast_in_dim3A = vector.broadcast %jit3A : f32 to vector<8x32x200xf32>
    %select_n3A = arith.select %lt3A_22, %mul3A_27, %broadcast_in_dim3A : vector<8x32x200xi1>, vector<8x32x200xf32>
    %get3A_28 = arith.constant 0 : index
    %get3A_29 = arith.constant 0 : index
    %get3A_30 = vector.load %arg3[%get3A_28, %get3A_29] : memref<8x200xi32, #tpu.memory_space<vmem>>, vector<8x200xi32>
    %broadcast_in_dim3A_31 = vector.shape_cast %get3A_30 : vector<8x200xi32> to vector<8x200x1xi32>
    %broadcast_in_dim3A_32 = vector.shape_cast %get3A_30 : vector<8x200xi32> to vector<8x1x200xi32>
    %eq3A = vector.broadcast %broadcast_in_dim3A_31 : vector<8x200x1xi32> to vector<8x200x200xi32>
    %eq3A_33 = vector.broadcast %broadcast_in_dim3A_32 : vector<8x1x200xi32> to vector<8x200x200xi32>
    %eq3A_34 = arith.cmpi eq, %eq3A, %eq3A_33 : vector<8x200x200xi32>
    %convert_element_type3A = arith.extui %eq3A_34 : vector<8x200x200xi1> to vector<8x200x200xi32>
    %convert_element_type3A_35 = arith.sitofp %convert_element_type3A : vector<8x200x200xi32> to vector<8x200x200xf32>
    %slice3A = vector.extract_strided_slice %select_n3A {offsets = [0, 0, 0], sizes = [1, 32, 200], strides = [1, 1, 1]} : vector<8x32x200xf32> to vector<1x32x200xf32>
    %squeeze3A = vector.shape_cast %slice3A : vector<1x32x200xf32> to vector<32x200xf32>
    %slice3A_36 = vector.extract_strided_slice %convert_element_type3A_35 {offsets = [0, 0, 0], sizes = [1, 200, 200], strides = [1, 1, 1]} : vector<8x200x200xf32> to vector<1x200x200xf32>
    %squeeze3A_37 = vector.shape_cast %slice3A_36 : vector<1x200x200xf32> to vector<200x200xf32>
    %dot_general3A = arith.constant dense<0.000000e+00> : vector<32x200xf32>
    %dot_general3A_38 = tpu.matmul %squeeze3A, %squeeze3A_37, %dot_general3A {dimension_numbers = #tpu.dot_dimension_numbers<[1], [0], [0], [1], [0, 0, 1, 1], [], []>, transpose_lhs_hint = false} : vector<32x200xf32>, vector<200x200xf32>, vector<32x200xf32> -> vector<32x200xf32>
    %slice3A_39 = vector.extract_strided_slice %select_n3A {offsets = [1, 0, 0], sizes = [1, 32, 200], strides = [1, 1, 1]} : vector<8x32x200xf32> to vector<1x32x200xf32>
    %squeeze3A_40 = vector.shape_cast %slice3A_39 : vector<1x32x200xf32> to vector<32x200xf32>
    %slice3A_41 = vector.extract_strided_slice %convert_element_type3A_35 {offsets = [1, 0, 0], sizes = [1, 200, 200], strides = [1, 1, 1]} : vector<8x200x200xf32> to vector<1x200x200xf32>
    %squeeze3A_42 = vector.shape_cast %slice3A_41 : vector<1x200x200xf32> to vector<200x200xf32>
    %dot_general3A_43 = arith.constant dense<0.000000e+00> : vector<32x200xf32>
    %dot_general3A_44 = tpu.matmul %squeeze3A_40, %squeeze3A_42, %dot_general3A_43 {dimension_numbers = #tpu.dot_dimension_numbers<[1], [0], [0], [1], [0, 0, 1, 1], [], []>, transpose_lhs_hint = false} : vector<32x200xf32>, vector<200x200xf32>, vector<32x200xf32> -> vector<32x200xf32>
    %slice3A_45 = vector.extract_strided_slice %select_n3A {offsets = [2, 0, 0], sizes = [1, 32, 200], strides = [1, 1, 1]} : vector<8x32x200xf32> to vector<1x32x200xf32>
    %squeeze3A_46 = vector.shape_cast %slice3A_45 : vector<1x32x200xf32> to vector<32x200xf32>
    %slice3A_47 = vector.extract_strided_slice %convert_element_type3A_35 {offsets = [2, 0, 0], sizes = [1, 200, 200], strides = [1, 1, 1]} : vector<8x200x200xf32> to vector<1x200x200xf32>
    %squeeze3A_48 = vector.shape_cast %slice3A_47 : vector<1x200x200xf32> to vector<200x200xf32>
    %dot_general3A_49 = arith.constant dense<0.000000e+00> : vector<32x200xf32>
    %dot_general3A_50 = tpu.matmul %squeeze3A_46, %squeeze3A_48, %dot_general3A_49 {dimension_numbers = #tpu.dot_dimension_numbers<[1], [0], [0], [1], [0, 0, 1, 1], [], []>, transpose_lhs_hint = false} : vector<32x200xf32>, vector<200x200xf32>, vector<32x200xf32> -> vector<32x200xf32>
    %slice3A_51 = vector.extract_strided_slice %select_n3A {offsets = [3, 0, 0], sizes = [1, 32, 200], strides = [1, 1, 1]} : vector<8x32x200xf32> to vector<1x32x200xf32>
    %squeeze3A_52 = vector.shape_cast %slice3A_51 : vector<1x32x200xf32> to vector<32x200xf32>
    %slice3A_53 = vector.extract_strided_slice %convert_element_type3A_35 {offsets = [3, 0, 0], sizes = [1, 200, 200], strides = [1, 1, 1]} : vector<8x200x200xf32> to vector<1x200x200xf32>
    %squeeze3A_54 = vector.shape_cast %slice3A_53 : vector<1x200x200xf32> to vector<200x200xf32>
    %dot_general3A_55 = arith.constant dense<0.000000e+00> : vector<32x200xf32>
    %dot_general3A_56 = tpu.matmul %squeeze3A_52, %squeeze3A_54, %dot_general3A_55 {dimension_numbers = #tpu.dot_dimension_numbers<[1], [0], [0], [1], [0, 0, 1, 1], [], []>, transpose_lhs_hint = false} : vector<32x200xf32>, vector<200x200xf32>, vector<32x200xf32> -> vector<32x200xf32>
    %slice3A_57 = vector.extract_strided_slice %select_n3A {offsets = [4, 0, 0], sizes = [1, 32, 200], strides = [1, 1, 1]} : vector<8x32x200xf32> to vector<1x32x200xf32>
    %squeeze3A_58 = vector.shape_cast %slice3A_57 : vector<1x32x200xf32> to vector<32x200xf32>
    %slice3A_59 = vector.extract_strided_slice %convert_element_type3A_35 {offsets = [4, 0, 0], sizes = [1, 200, 200], strides = [1, 1, 1]} : vector<8x200x200xf32> to vector<1x200x200xf32>
    %squeeze3A_60 = vector.shape_cast %slice3A_59 : vector<1x200x200xf32> to vector<200x200xf32>
    %dot_general3A_61 = arith.constant dense<0.000000e+00> : vector<32x200xf32>
    %dot_general3A_62 = tpu.matmul %squeeze3A_58, %squeeze3A_60, %dot_general3A_61 {dimension_numbers = #tpu.dot_dimension_numbers<[1], [0], [0], [1], [0, 0, 1, 1], [], []>, transpose_lhs_hint = false} : vector<32x200xf32>, vector<200x200xf32>, vector<32x200xf32> -> vector<32x200xf32>
    %slice3A_63 = vector.extract_strided_slice %select_n3A {offsets = [5, 0, 0], sizes = [1, 32, 200], strides = [1, 1, 1]} : vector<8x32x200xf32> to vector<1x32x200xf32>
    %squeeze3A_64 = vector.shape_cast %slice3A_63 : vector<1x32x200xf32> to vector<32x200xf32>
    %slice3A_65 = vector.extract_strided_slice %convert_element_type3A_35 {offsets = [5, 0, 0], sizes = [1, 200, 200], strides = [1, 1, 1]} : vector<8x200x200xf32> to vector<1x200x200xf32>
    %squeeze3A_66 = vector.shape_cast %slice3A_65 : vector<1x200x200xf32> to vector<200x200xf32>
    %dot_general3A_67 = arith.constant dense<0.000000e+00> : vector<32x200xf32>
    %dot_general3A_68 = tpu.matmul %squeeze3A_64, %squeeze3A_66, %dot_general3A_67 {dimension_numbers = #tpu.dot_dimension_numbers<[1], [0], [0], [1], [0, 0, 1, 1], [], []>, transpose_lhs_hint = false} : vector<32x200xf32>, vector<200x200xf32>, vector<32x200xf32> -> vector<32x200xf32>
    %slice3A_69 = vector.extract_strided_slice %select_n3A {offsets = [6, 0, 0], sizes = [1, 32, 200], strides = [1, 1, 1]} : vector<8x32x200xf32> to vector<1x32x200xf32>
    %squeeze3A_70 = vector.shape_cast %slice3A_69 : vector<1x32x200xf32> to vector<32x200xf32>
    %slice3A_71 = vector.extract_strided_slice %convert_element_type3A_35 {offsets = [6, 0, 0], sizes = [1, 200, 200], strides = [1, 1, 1]} : vector<8x200x200xf32> to vector<1x200x200xf32>
    %squeeze3A_72 = vector.shape_cast %slice3A_71 : vector<1x200x200xf32> to vector<200x200xf32>
    %dot_general3A_73 = arith.constant dense<0.000000e+00> : vector<32x200xf32>
    %dot_general3A_74 = tpu.matmul %squeeze3A_70, %squeeze3A_72, %dot_general3A_73 {dimension_numbers = #tpu.dot_dimension_numbers<[1], [0], [0], [1], [0, 0, 1, 1], [], []>, transpose_lhs_hint = false} : vector<32x200xf32>, vector<200x200xf32>, vector<32x200xf32> -> vector<32x200xf32>
    %slice3A_75 = vector.extract_strided_slice %select_n3A {offsets = [7, 0, 0], sizes = [1, 32, 200], strides = [1, 1, 1]} : vector<8x32x200xf32> to vector<1x32x200xf32>
    %squeeze3A_76 = vector.shape_cast %slice3A_75 : vector<1x32x200xf32> to vector<32x200xf32>
    %slice3A_77 = vector.extract_strided_slice %convert_element_type3A_35 {offsets = [7, 0, 0], sizes = [1, 200, 200], strides = [1, 1, 1]} : vector<8x200x200xf32> to vector<1x200x200xf32>
    %squeeze3A_78 = vector.shape_cast %slice3A_77 : vector<1x200x200xf32> to vector<200x200xf32>
    %dot_general3A_79 = arith.constant dense<0.000000e+00> : vector<32x200xf32>
    %dot_general3A_80 = tpu.matmul %squeeze3A_76, %squeeze3A_78, %dot_general3A_79 {dimension_numbers = #tpu.dot_dimension_numbers<[1], [0], [0], [1], [0, 0, 1, 1], [], []>, transpose_lhs_hint = false} : vector<32x200xf32>, vector<200x200xf32>, vector<32x200xf32> -> vector<32x200xf32>
    %stack3A = vector.shape_cast %dot_general3A_38 : vector<32x200xf32> to vector<1x32x200xf32>
    %stack3A_81 = vector.shape_cast %dot_general3A_44 : vector<32x200xf32> to vector<1x32x200xf32>
    %stack3A_82 = vector.shape_cast %dot_general3A_50 : vector<32x200xf32> to vector<1x32x200xf32>
    %stack3A_83 = vector.shape_cast %dot_general3A_56 : vector<32x200xf32> to vector<1x32x200xf32>
    %stack3A_84 = vector.shape_cast %dot_general3A_62 : vector<32x200xf32> to vector<1x32x200xf32>
    %stack3A_85 = vector.shape_cast %dot_general3A_68 : vector<32x200xf32> to vector<1x32x200xf32>
    %stack3A_86 = vector.shape_cast %dot_general3A_74 : vector<32x200xf32> to vector<1x32x200xf32>
    %stack3A_87 = vector.shape_cast %dot_general3A_80 : vector<32x200xf32> to vector<1x32x200xf32>
    %stack3A_88 = tpu.concatenate %stack3A, %stack3A_81, %stack3A_82, %stack3A_83, %stack3A_84, %stack3A_85, %stack3A_86, %stack3A_87 in 0 : vector<1x32x200xf32>, vector<1x32x200xf32>, vector<1x32x200xf32>, vector<1x32x200xf32>, vector<1x32x200xf32>, vector<1x32x200xf32>, vector<1x32x200xf32>, vector<1x32x200xf32> -> vector<8x32x200xf32>
    %sub3A = arith.constant 1.000000e+00 : f32
    %sub3A_89 = vector.broadcast %sub3A : f32 to vector<8x32x1xf32>
    %sub3A_90 = arith.subf %sub3A_89, %logistic3A_20 : vector<8x32x1xf32>
    %get3A_91 = arith.constant 0 : index
    %get3A_92 = arith.constant 0 : index
    %get3A_93 = arith.constant 0 : index
    %get3A_94 = vector.load %arg0[%get3A_91, %get3A_92, %get3A_93] : memref<8x32x200xf32, #tpu.memory_space<vmem>>, vector<8x32x200xf32>
    %sub3A_95 = vector.broadcast %get3A_2 : vector<8x32x1xf32> to vector<8x32x200xf32>
    %sub3A_96 = arith.subf %get3A_94, %sub3A_95 : vector<8x32x200xf32>
    %exp3A = math.exp %sub3A_96 : vector<8x32x200xf32>
    %div3A = vector.broadcast %get3A_6 : vector<8x32x1xf32> to vector<8x32x200xf32>
    %div3A_97 = arith.divf %exp3A, %div3A : vector<8x32x200xf32>
    %mul3A_98 = vector.broadcast %sub3A_90 : vector<8x32x1xf32> to vector<8x32x200xf32>
    %mul3A_99 = arith.mulf %mul3A_98, %div3A_97 : vector<8x32x200xf32>
    %add3A_100 = arith.addf %mul3A_99, %stack3A_88 : vector<8x32x200xf32>
    %add3A_101 = arith.constant 1.000000e-10 : f32
    %add3A_102 = vector.broadcast %add3A_101 : f32 to vector<8x32x200xf32>
    %add3A_103 = arith.addf %add3A_100, %add3A_102 : vector<8x32x200xf32>
    %log3A = math.log %add3A_103 : vector<8x32x200xf32>
    %swap3A = arith.constant 0 : index
    %swap3A_104 = arith.constant 0 : index
    %swap3A_105 = arith.constant 0 : index
    %swap3A_106 = vector.load %arg5[%swap3A, %swap3A_104, %swap3A_105] : memref<8x32x200xf32, #tpu.memory_space<vmem>>, vector<8x32x200xf32>
    tpu.vector_store %arg5[%swap3A, %swap3A_104, %swap3A_105], %log3A {strides = array<i32>} : memref<8x32x200xf32, #tpu.memory_space<vmem>>, vector<8x32x200xf32>,
    return
  }
}

</mosaic_0001>

<sc_bundles>
// kernel: kernel.6.cloned.1.call-start
scs
__scs_entry_jumppad:
0x0: {  	(pc) =	sbr.rel $0x88, $3  }
0x1: {  	(tag) =	ssettag $0x0;
	lr =	simm.s32 $0x1  }
0x2: {  	[smem:$0x3F9C] =	sst lr;
	_ =	strace $0xD0000000  }
0x3: {  	_ = 	snop  }
0x4: {  	_ = 	snop  }
0x5: {  	_ = 	snop  }
0x6: {  	_ = 	snop  }
0x7: {  	_ = 	snop  }
__scs_overlays_trampoline_lowered:
0x8: {  	[smem:$0x3FAB] =	sst s0  }
0x9: {  	[smem:$0x3FAC] =	sst s1  }
0xa: {  	[smem:$0x3FAD] =	sst s2  }
0xb: {  	[smem:$0x3FAE] =	sst s3  }
0xc: {  	[smem:$0x3FAF] =	sst s4  }
0xd: {  	[smem:$0x3FB0] =	sst s5  }
0xe: {  	[smem:$0x3FB1] =	sst s6  }
0xf: {  	[smem:$0x3FB2] =	sst s7  }
0x10: {  	[smem:$0x3FB3] =	sst s8  }
0x11: {  	[smem:$0x3FB4] =	sst s9;
	s0 =	simm.s32 @!p0 $0x0  }
0x12: {  	s1 =	sld [smem:$0x3F9A];
	s0 =	simm.s32 @p0 $0x1  }
0x13: {  	[smem:$0x3FB5] =	sst s0;
	s0 =	simm.s32 @!p1 $0x0  }
0x14: {  	s2 =	sld [smem:$0x3F99];
	s0 =	simm.s32 @p1 $0x1  }
0x15: {  	[smem:$0x3FB6] =	sst s0;
	s0 =	simm.s32 @!p2 $0x0  }
0x16: {  	s3 =	sld [smem:$0x3FDB];
	s0 =	simm.s32 @p2 $0x1  }
0x17: {  	s4 =	simm.s32 $0x1BF5;
	[smem:$0x3FB8] =	sst s0  }
0x18: {  	s0 =	sld [smem:$0x3F9B];
	_ =	swait.ge [sflag:s4], $0x0  }
0x19: {  	s7 =	sld [smem:$0x3F9C]  }
0x1a: {  	s8 =	sadd.s32 $0xFFFFE003, lr  }
0x1b: {  	s9 =	sadd.s32 $0xFFFFFEF7, lr;
	s5 =	simm.s32 $0xFFFFFFFF;
	p2 =	slt.u32 s8, $0xFFFFF086  }
0x1c: {  	p1 =	slt.u32 s9, $0xF7A;
	s5 =	simm.s32 @!p2 $0x0  }
0x1d: {  	s5 =	simm.s32 @p1 $0x1;
	p0 =	seq.s32 s7, s2  }
0x1e: {  	s7 =	smul.u32 @!p0 $0xF7A, s2;
	p2 =	seq.s32 @!p0 s5, $0x0  }
0x1f: {  	s9 =	smul.u32 $0xF7A, s1;
	s8 =	simm.s32 @!p0 $0x1BF5;
	p2 =	por !p2, p0  }
0x20: {  	[sflag:s8] =	ssyncset.s32 @!p0 $0xFFFFF086;
	s6 =	sadd.s32 @!p0 s3, s7;
	s7 =	simm.s32 @!p0 $0x108  }
0x21: {  	s3 =	sadd.s32 s3, s9;
	s6 =	sadd.s32 @!p0 $0x88, s6;
	s7 =	simm.s32 @p2 $0x1082  }
0x22: {  	[simem:s7], [sflag:s8] =	dma.local @!p0 [hbm:s6], $0xF7A  }
0x23: {  	s9 =	sor.u32 $0xD0000000, s2;
	s6 =	simm.s32 $0x108;
	_ =	swait.ge @!p0 [sflag:s8], $0x0  }
0x24: {  	s3 =	sadd.s32 $0x88, s3;
	s6 =	simm.s32 @!p1 $0x1082;
	[sflag:s4] =	ssyncset.s32 $0xFFFFF086  }
0x25: {  	[simem:s6], [sflag:s4] =	dma.local [hbm:s3], $0xF7A  }
0x26: {  	[smem:$0x3F9C] =	sst s1;
	(tag) =	ssettag s2;
	_ =	strace s9  }
0x27: {  	s1 =	sld [smem:$0x3FAC]  }
0x28: {  	s2 =	sld [smem:$0x3FAD]  }
0x29: {  	s4 =	sld [smem:$0x3FAF]  }
0x2a: {  	p0 =	seq.s32 s5, $0x0;
	s5 =	sld [smem:$0x3FB0]  }
0x2b: {  	s6 =	sld [smem:$0x3FB1]  }
0x2c: {  	s7 =	sld [smem:$0x3FB2]  }
0x2d: {  	s3 =	simm.s32 $0x108;
	s8 =	sld [smem:$0x3FB3]  }
0x2e: {  	s3 =	simm.s32 @!p0 $0x1082;
	s9 =	sld [smem:$0x3FB4]  }
0x2f: {  	lr =	sadd.s32 s0, s3;
	s0 =	sld [smem:$0x3FAB]  }
0x30: {  	s3 =	sld [smem:$0x3FAE]  }
0x31: {  	[smem:$0x3FB7] =	sst s10  }
0x32: {  	s10 =	sld [smem:$0x3FB5];
	_ =	sdelay $0x3  }
0x33: {  	p0 =	seq.s32 s10, $0x1;
	s10 =	sld [smem:$0x3FB7];
	_ =	sdelay $0x3  }
0x34: {  	[smem:$0x3FB7] =	sst s10  }
0x35: {  	s10 =	sld [smem:$0x3FB6];
	_ =	sdelay $0x3  }
0x36: {  	p1 =	seq.s32 s10, $0x1;
	s10 =	sld [smem:$0x3FB7];
	_ =	sdelay $0x3  }
0x37: {  	[smem:$0x3FB7] =	sst s10  }
0x38: {  	s10 =	sld [smem:$0x3FB8]  }
0x39: {  	_ = 	snop;
	(pc) =	sbr.ind lr, $3  }
0x3a: {  	_ = 	snop  }
0x3b: {  	_ = 	snop  }
0x3c: {  	p2 =	seq.s32 s10, $0x1;
	s10 =	sld [smem:$0x3FB7]  }
0x3d: {  	_ =	shalt  }
0x3e: {  	_ =	shalt  }
0x3f: {  	_ =	shalt  }
0x40: {  	_ =	shalt  }
0x41: {  	_ =	shalt  }
0x42: {  	_ =	shalt  }
0x43: {  	_ =	shalt  }
0x44: {  	_ =	shalt  }
0x45: {  	_ =	shalt  }
0x46: {  	_ =	shalt  }
0x47: {  	_ =	shalt  }
0x48: {  	_ =	shalt  }
0x49: {  	_ =	shalt  }
0x4a: {  	_ =	shalt  }
0x4b: {  	_ =	shalt  }
0x4c: {  	_ =	shalt  }
0x4d: {  	_ =	shalt  }
0x4e: {  	_ =	shalt  }
0x4f: {  	_ =	shalt  }
0x50: {  	_ =	shalt  }
0x51: {  	_ =	shalt  }
0x52: {  	_ =	shalt  }
0x53: {  	_ =	shalt  }
0x54: {  	_ =	shalt  }
0x55: {  	_ =	shalt  }
0x56: {  	_ =	shalt  }
0x57: {  	_ =	shalt  }
0x58: {  	_ =	shalt  }
0x59: {  	_ =	shalt  }
0x5a: {  	_ =	shalt  }
0x5b: {  	_ =	shalt  }
0x5c: {  	_ =	shalt  }
0x5d: {  	_ =	shalt  }
0x5e: {  	_ =	shalt  }
0x5f: {  	_ =	shalt  }
0x60: {  	_ =	shalt  }
0x61: {  	_ =	shalt  }
0x62: {  	_ =	shalt  }
0x63: {  	_ =	shalt  }
0x64: {  	_ =	shalt  }
0x65: {  	_ =	shalt  }
0x66: {  	_ =	shalt  }
0x67: {  	_ =	shalt  }
0x68: {  	_ =	shalt  }
0x69: {  	_ =	shalt  }
0x6a: {  	_ =	shalt  }
0x6b: {  	_ =	shalt  }
0x6c: {  	_ =	shalt  }
0x6d: {  	_ =	shalt  }
0x6e: {  	_ =	shalt  }
0x6f: {  	_ =	shalt  }
0x70: {  	_ =	shalt  }
0x71: {  	_ =	shalt  }
0x72: {  	_ =	shalt  }
0x73: {  	_ =	shalt  }
0x74: {  	_ =	shalt  }
0x75: {  	_ =	shalt  }
0x76: {  	_ =	shalt  }
0x77: {  	_ =	shalt  }
0x78: {  	_ =	shalt  }
0x79: {  	_ =	shalt  }
0x7a: {  	_ =	shalt  }
0x7b: {  	_ =	shalt  }
0x7c: {  	_ =	shalt  }
0x7d: {  	_ =	shalt  }
0x7e: {  	_ =	shalt  }
0x7f: {  	_ =	shalt  }
0x80: {  	_ =	shalt  }
0x81: {  	_ =	shalt  }
0x82: {  	_ =	shalt  }
0x83: {  	_ =	shalt  }
0x84: {  	_ =	shalt  }
0x85: {  	_ =	shalt  }
0x86: {  	_ =	shalt  }
0x87: {  	_ =	shalt  }
.Lfunc_end0:
.L_simem_size_0:
called_computation_lowered:
.L_overlay_start_0:
0x88: {  	s2 =	sld [smem:$0x3FD9]  }
0x89: {  	s3 =	sld [smem:$0x3FFE];
	_ =	sdelay $0x1  }
0x8a: {  	s1 =	srdreg.scid  }
0x8b: {  	s0 =	sand.u32 $0x1, s1  }
0x8c: {  	s14 =	sshll.u32 s0, $0xA;
	s2 =	sadd.s32 s3, s2  }
0x8d: {  	s2 =	sadd.s32 s2, s14  }
0x8e: {  	[smem:$0x3FC3] =	sst s2  }
0x8f: {  	_ = 	snop  }
0x90: {  	s2 =	sld [smem:$0x3FD0];
	_ =	sdelay $0x2  }
0x91: {  	s15 =	simm.s32 $0xA;
	s4 =	simm.s32 $0x10  }
0x92: {  	[smem:s4], [sflag:s15] =	dma.local [hbm:s2], $0x1  }
0x93: {  	_ =	swait.eq [sflag:s15], $0x1  }
0x94: {  	[sflag:s15] =	ssyncset.done $0x0  }
0x95: {  	[sflag:s15] =	ssyncadd.s32 $0xFFFFFFFF  }
0x96: {  	s16 =	sld [smem:$0x11];
	(tm) =	ssettm $0x1  }
0x97: {  	s17 =	sld [smem:$0x3FFB];
	_ =	sdelay $0x3  }
0x98: {  	_ =	strace s17  }
0x99: {  	s3 =	sld [smem:$0x3FFC];
	_ =	sdelay $0x3  }
0x9a: {  	_ =	strace s3  }
0x9b: {  	s3 =	sld [smem:$0x3FFD];
	_ =	sdelay $0x3  }
0x9c: {  	_ =	strace s3  }
0x9d: {  	_ =	strace $0x8FFFFFFF  }
0x9e: {  	s18 =	sld [smem:$0x3FDB];
	_ =	sdelay $0x1  }
0x9f: {  	s19 =	simm.s32 $_scs_section_size  }
0xa0: {  	s5 =	simm.s32 $_size__tile_overlayer_lowered;
	s6 =	simm.s32 $_tile_overlayer_lowered  }
0xa1: {  	s22 =	simm.s32 $0x1BFF;
	s21 =	sshll.u32 s6, $0x1;
	s3 =	sadd.s32 s19, s18  }
0xa2: {  	s7 =	simm.s32 $0x0;
	s20 =	sshll.u32 s5, $0x1;
	s5 =	sadd.s32 s21, s3  }
0xa3: {  	[timem:s7], [sflag:s22] =	dma.local [hbm:s5], s20  }
0xa4: {  	_ =	swait.ge [sflag:s22], s20  }
0xa5: {  	s4 =	ssub.s32 $0x0, s20;
	[sflag:s22] =	ssyncset.done $0x0  }
0xa6: {  	[sflag:s22] =	ssyncadd.s32 s4;
	_ =	sdelay $0x1  }
0xa7: {  	s23 =	simm.s32 $0x1B8B  }
0xa8: {  	_ =	swait.ge [sflag:s23], $0x1  }
0xa9: {  	[sflag:s23] =	ssyncset.done $0x0  }
0xaa: {  	s25 =	simm.s32 $0x1B8E;
	s24 =	sld [smem:$0x3FFE];
	[sflag:s23] =	ssyncadd.s32 $0xFFFFFFFF  }
0xab: {  	s26 =	simm.s32 $execute0_lowered;
	[smem:$0x3FD2] =	sst s25  }
0xac: {  	s5 =	sshll.u32 s26, $0x1;
	_ =	strace $0x80000046;
	[dreg:$0x1] =	wrdreg $0xFFFFFFFF  }
0xad: {  	s28 =	simm.s32 $_size_execute0_lowered;
	s3 =	sadd.s32 s3, s5;
	[dreg:$0x0] =	wrdreg $0x0  }
0xae: {  	s5 =	sshll.u32 s28, $0x1;
	[dreg:$0x2] =	wrdreg s3  }
0xaf: {  	[dreg:$0x3] =	wrdreg s5  }
0xb0: {  	[dreg:$0x4] =	wrdreg $0xC0  }
0xb1: {  	_ =	task [dreg:s7], $0x5FFFF  }
0xb2: {  	[dreg:$0x1] =	wrdreg $0xFFFFFFFF  }
0xb3: {  	[dreg:$0x0] =	wrdreg $0x60  }
0xb4: {  	[dreg:$0x2] =	wrdreg s24  }
0xb5: {  	[dreg:$0x3] =	wrdreg s16  }
0xb6: {  	[dreg:$0x4] =	wrdreg $0x9  }
0xb7: {  	_ =	task.clear_ibuf [dreg:s7], $0x5FFFF;
	_ =	strace $0x90000046  }
0xb8: {  	s29 =	simm.s32 $0x9;
	_ =	strace $0x80000048  }
0xb9: {  	_ =	swait.ge [sflag:s29], $0x1  }
0xba: {  	[sflag:s29] =	ssyncadd.s32 $0xFFFFFFFF  }
0xbb: {  	_ =	strace $0x90000048  }
0xbc: {  	_ =	sfence  }
0xbd: {  	s30 =	sld [smem:$0x0];
	_ =	sdelay $0x2  }
0xbe: {  	s31 =	sshll.u32 s1, $0xD;
	s1 =	sshrl.u32 s1, $0x2  }
0xbf: {  	s3 =	sand.u32 $0x4000, s31;
	s1 =	sadd.s32 s1, s30  }
0xc0: {  	s0 =	sor.u32 s3, s0;
	s1 =	sshll.u32 s1, $0x11  }
0xc1: {  	s0 =	sor.u32 s1, s0  }
0xc2: {  	s0 =	sadd.s32 $0x8F2B, s0  }
0xc3: {  	[sflag:s0] =	ssyncadd.remote.s32 $0x1  }
0xc4: {  	_ =	sfence.sel $0xFFFF  }
0xc5: {  	[dreg:$0x0] =	wrdreg $0xFFFFFFFF;
	(pc) =	sbr.abs _section_cstart, $3  }
0xc6: {  	[dreg:$0x1] =	wrdreg $0xFFFFFFFF  }
0xc7: {  	_ =	task.clear_ibuf [dreg:s7], $0x2FFFF;
	_ =	strace $0x9FFFFFFF  }
0xc8: {  	(tm) =	ssettm $0x7FFFFFFF  }
0xc9: {  	_ =	shalt  }
tec
execute0_lowered:
.L_overlay_start_1:
0x0: {  	(tag) =	ssettag $0x1  }
0x1: {  	s4 =	rddreg [dreg:$0x0]  }
0x2: {  	s3 =	rddreg [dreg:$0x1];
	s2 =	simm.s32 $0x0  }
0x3: {  	s0 =	srdreg.scid;
	s14 =	simm.s32 $0x80;
	[smem:$0x7FF] =	sst s2  }
0x4: {  	s15 =	simm.s32 $0x880;
	_ =	strace $0x80000047;
	[dreg:$0x5] =	wrdreg s14  }
0x5: {  	s1 =	stileid.u32;
	s16 =	simm.s32 $0x100;
	[dreg:$0x6] =	wrdreg s15  }
0x6: {  	s17 =	simm.s32 $0x900;
	s18 =	simm.s32 $0x180;
	[dreg:$0x7] =	wrdreg s16  }
0x7: {  	s19 =	simm.s32 $0x980;
	s0 =	sand.u32 $0x1, s0;
	[dreg:$0x8] =	wrdreg s17  }
0x8: {  	s5 =	sshll.u32 s1, $0x9;
	s6 =	sshll.u32 s0, $0x8;
	[dreg:$0x9] =	wrdreg s18  }
0x9: {  	s21 =	simm.s32 $0x200;
	[dreg:$0xa] =	wrdreg s19;
	s5 =	sor.u32 s6, s5  }
0xa: {  	[dreg:$0xb] =	wrdreg s21;
	s6 =	sadd.s32 s5, s4;
	s3 =	sadd.s32 s3, s5  }
0xb: {  	[dreg:$0x3] =	wrdreg s3;
	s13 =	sadd.s32 $0x30E600, s6  }
0xc: {  	[dreg:$0x4] =	wrdreg s13  }
0xd: {  	s3 =	simm.s32 $0x2;
	s20 =	rddreg [dreg:$0x3]  }
0xe: {  	[tilespmem:s2], [sflag:$0x2] =	stream.linear.gather [hbm4b:s20+s2], $0x800, $0x38;
	[tilespmem:$0x1000] =	vst v63  }
0xf: {  	_ =	swait.ge [sflag:s3], $0x800  }
0x10: {  	s4 =	sadd.s32 $0x1200, s4;
	s7 =	rddreg [dreg:$0x9]  }
0x11: {  	s5 =	simm.s32 $0x64;
	s8 =	rddreg [dreg:$0x7];
	[sflag:s3] =	ssyncset.done $0x0  }
0x12: {  	s6 =	simm.s32 $0x800;
	s9 =	rddreg [dreg:$0x5];
	[sflag:s3] =	ssyncadd.s32 $0xFFFFF800  }
0x13: {  	[tilespmem:s6], [sflag:$0x1] =	stream.indirect.gather [hbm4b:s4+s5], $0x1, s2, s5, $0xb8;
	[tilespmem:$0x1000] =	vst v63  }
0x14: {  	s10 =	rddreg [dreg:$0x6]  }
0x15: {  	[tilespmem:s10], [sflag:$0x1] =	stream.indirect.gather [hbm4b:s4+s5], $0x1, s9, s5, $0xb8;
	[tilespmem:$0x1000] =	vst v63  }
0x16: {  	s11 =	rddreg [dreg:$0x8]  }
0x17: {  	[tilespmem:s11], [sflag:$0x1] =	stream.indirect.gather [hbm4b:s4+s5], $0x1, s8, s5, $0xb8;
	[tilespmem:$0x1000] =	vst v63  }
0x18: {  	s22 =	rddreg [dreg:$0xa]  }
0x19: {  	[tilespmem:s22], [sflag:$0x1] =	stream.indirect.gather [hbm4b:s4+s5], $0x1, s7, s5, $0xb8;
	[tilespmem:$0x1000] =	vst v63  }
0x1a: {  	s24 =	simm.s32 $0xA00;
	s23 =	rddreg [dreg:$0xb]  }
0x1b: {  	[tilespmem:s24], [sflag:$0x1] =	stream.indirect.gather [hbm4b:s4+s5], $0x1, s23, s5, $0xb8;
	[tilespmem:$0x1000] =	vst v63  }
0x1c: {  	s25 =	simm.s32 $0x280;
	s26 =	simm.s32 $0xA80  }
0x1d: {  	[tilespmem:s26], [sflag:$0x1] =	stream.indirect.gather [hbm4b:s4+s5], $0x1, s25, s5, $0xb8;
	[tilespmem:$0x1000] =	vst v63  }
0x1e: {  	s8 =	simm.s32 $0xB00;
	s7 =	simm.s32 $0x300  }
0x1f: {  	[tilespmem:s8], [sflag:$0x1] =	stream.indirect.gather [hbm4b:s4+s5], $0x1, s7, s5, $0xb8;
	[tilespmem:$0x1000] =	vst v63  }
0x20: {  	s12 =	simm.s32 $0x380;
	s13 =	simm.s32 $0xB80  }
0x21: {  	[tilespmem:s13], [sflag:$0x1] =	stream.indirect.gather [hbm4b:s4+s5], $0x1, s12, s5, $0xb8;
	[tilespmem:$0x1000] =	vst v63  }
0x22: {  	s14 =	simm.s32 $0x400;
	s15 =	simm.s32 $0xC00  }
0x23: {  	[tilespmem:s15], [sflag:$0x1] =	stream.indirect.gather [hbm4b:s4+s5], $0x1, s14, s5, $0xb8;
	[tilespmem:$0x1000] =	vst v63  }
0x24: {  	s16 =	simm.s32 $0x480;
	s17 =	simm.s32 $0xC80  }
0x25: {  	[tilespmem:s17], [sflag:$0x1] =	stream.indirect.gather [hbm4b:s4+s5], $0x1, s16, s5, $0xb8;
	[tilespmem:$0x1000] =	vst v63  }
0x26: {  	s18 =	simm.s32 $0x500;
	s19 =	simm.s32 $0xD00  }
0x27: {  	[tilespmem:s19], [sflag:$0x1] =	stream.indirect.gather [hbm4b:s4+s5], $0x1, s18, s5, $0xb8;
	[tilespmem:$0x1000] =	vst v63  }
0x28: {  	s21 =	simm.s32 $0xD80;
	s20 =	simm.s32 $0x580  }
0x29: {  	[tilespmem:s21], [sflag:$0x1] =	stream.indirect.gather [hbm4b:s4+s5], $0x1, s20, s5, $0xb8;
	[tilespmem:$0x1000] =	vst v63  }
0x2a: {  	s22 =	simm.s32 $0x600;
	s23 =	simm.s32 $0xE00  }
0x2b: {  	[tilespmem:s23], [sflag:$0x1] =	stream.indirect.gather [hbm4b:s4+s5], $0x1, s22, s5, $0xb8;
	[tilespmem:$0x1000] =	vst v63  }
0x2c: {  	s24 =	simm.s32 $0x680;
	s25 =	simm.s32 $0xE80  }
0x2d: {  	[tilespmem:s25], [sflag:$0x1] =	stream.indirect.gather [hbm4b:s4+s5], $0x1, s24, s5, $0xb8;
	[tilespmem:$0x1000] =	vst v63  }
0x2e: {  	s28 =	simm.s32 $0xF00;
	s26 =	simm.s32 $0x700  }
0x2f: {  	[tilespmem:s28], [sflag:$0x1] =	stream.indirect.gather [hbm4b:s4+s5], $0x1, s26, s5, $0xb8;
	[tilespmem:$0x1000] =	vst v63  }
0x30: {  	s29 =	simm.s32 $0x780;
	s30 =	simm.s32 $0xF80;
	s31 =	simm.s32 $0x1  }
0x31: {  	[tilespmem:s30], [sflag:$0x1] =	stream.indirect.gather [hbm4b:s4+s5], $0x1, s29, s5, $0xb8;
	[tilespmem:$0x1000] =	vst v63  }
0x32: {  	_ =	swait.ge [sflag:s31], $0x64  }
0x33: {  	[sflag:s31] =	ssyncset.done $0x0  }
0x34: {  	[sflag:s31] =	ssyncadd.s32 $0xFFFFFF9C  }
0x35: {  	_ =	swait.ge [sflag:s31], $0x64  }
0x36: {  	[sflag:s31] =	ssyncset.done $0x0  }
0x37: {  	[sflag:s31] =	ssyncadd.s32 $0xFFFFFF9C  }
0x38: {  	_ =	swait.ge [sflag:s31], $0x64  }
0x39: {  	[sflag:s31] =	ssyncset.done $0x0  }
0x3a: {  	[sflag:s31] =	ssyncadd.s32 $0xFFFFFF9C  }
0x3b: {  	_ =	swait.ge [sflag:s31], $0x64  }
0x3c: {  	[sflag:s31] =	ssyncset.done $0x0  }
0x3d: {  	[sflag:s31] =	ssyncadd.s32 $0xFFFFFF9C  }
0x3e: {  	_ =	swait.ge [sflag:s31], $0x64  }
0x3f: {  	[sflag:s31] =	ssyncset.done $0x0  }
0x40: {  	[sflag:s31] =	ssyncadd.s32 $0xFFFFFF9C  }
0x41: {  	_ =	swait.ge [sflag:s31], $0x64  }
0x42: {  	[sflag:s31] =	ssyncset.done $0x0  }
0x43: {  	[sflag:s31] =	ssyncadd.s32 $0xFFFFFF9C  }
0x44: {  	_ =	swait.ge [sflag:s31], $0x64  }
0x45: {  	[sflag:s31] =	ssyncset.done $0x0  }
0x46: {  	[sflag:s31] =	ssyncadd.s32 $0xFFFFFF9C  }
0x47: {  	_ =	swait.ge [sflag:s31], $0x64  }
0x48: {  	[sflag:s31] =	ssyncset.done $0x0  }
0x49: {  	[sflag:s31] =	ssyncadd.s32 $0xFFFFFF9C  }
0x4a: {  	_ =	swait.ge [sflag:s31], $0x64  }
0x4b: {  	[sflag:s31] =	ssyncset.done $0x0  }
0x4c: {  	[sflag:s31] =	ssyncadd.s32 $0xFFFFFF9C  }
0x4d: {  	_ =	swait.ge [sflag:s31], $0x64  }
0x4e: {  	[sflag:s31] =	ssyncset.done $0x0  }
0x4f: {  	[sflag:s31] =	ssyncadd.s32 $0xFFFFFF9C  }
0x50: {  	_ =	swait.ge [sflag:s31], $0x64  }
0x51: {  	[sflag:s31] =	ssyncset.done $0x0  }
0x52: {  	[sflag:s31] =	ssyncadd.s32 $0xFFFFFF9C  }
0x53: {  	_ =	swait.ge [sflag:s31], $0x64  }
0x54: {  	[sflag:s31] =	ssyncset.done $0x0  }
0x55: {  	[sflag:s31] =	ssyncadd.s32 $0xFFFFFF9C  }
0x56: {  	_ =	swait.ge [sflag:s31], $0x64  }
0x57: {  	[sflag:s31] =	ssyncset.done $0x0  }
0x58: {  	[sflag:s31] =	ssyncadd.s32 $0xFFFFFF9C  }
0x59: {  	s0 =	ssub.s32 $0x2, s0;
	_ =	swait.ge [sflag:s31], $0x64  }
0x5a: {  	s10 =	sshrl.u32 s0, $0x1;
	[sflag:s31] =	ssyncset.done $0x0  }
0x5b: {  	s0 =	ssub.s32 s0, s10;
	[sflag:s31] =	ssyncadd.s32 $0xFFFFFF9C  }
0x5c: {  	s0 =	smax.u32 s0, $0x1;
	_ =	swait.ge [sflag:s31], $0x64  }
0x5d: {  	p0 =	sne.s32 s0, $0x1;
	[sflag:s31] =	ssyncset.done $0x0  }
.Ltmp0:
0x5e: {  	[sflag:s31] =	ssyncadd.s32 $0xFFFFFF9C;
	(pc) =	sbr.rel @!p0 .LBB2_2-.Ltmp0, $4  }
0x5f: {  	_ =	swait.ge [sflag:s31], $0x64  }
0x60: {  	s11 =	simm.s32 $0xB00;
	[sflag:s31] =	ssyncset.done $0x0  }
0x61: {  	s0 =	sadd.s32 $0xFFFFFFFF, s0;
	s9 =	rddreg [dreg:$0x4];
	[sflag:s31] =	ssyncadd.s32 $0xFFFFFF9C  }
0x62: {  	[hbm4b:s9+s2] =	stream.linear.scatter [tilespmem:s6], [sflag:$0x2], $0x800, $0x38;
	[tilespmem:$0x1000] =	vst v63  }
.LBB2_1:
0x63: {  	_ =	swait.ge [sflag:s3], $0x800  }
0x64: {  	[sflag:s3] =	ssyncset.done $0x0  }
0x65: {  	s1 =	rddreg [dreg:$0x3];
	[sflag:s3] =	ssyncadd.s32 $0xFFFFF800  }
0x66: {  	[tilespmem:s2], [sflag:$0x2] =	stream.linear.gather [hbm4b:s1+s2], $0x800, $0x38;
	[tilespmem:$0x1000] =	vst v63  }
0x67: {  	_ =	swait.ge [sflag:s3], $0x800  }
0x68: {  	s1 =	rddreg [dreg:$0x9]  }
0x69: {  	[sflag:s3] =	ssyncset.done $0x0;
	s7 =	rddreg [dreg:$0x7]  }
0x6a: {  	s8 =	rddreg [dreg:$0x5];
	[sflag:s3] =	ssyncadd.s32 $0xFFFFF800  }
0x6b: {  	[tilespmem:s6], [sflag:$0x1] =	stream.indirect.gather [hbm4b:s4+s5], $0x1, s2, s5, $0xb8;
	[tilespmem:$0x1000] =	vst v63  }
0x6c: {  	s9 =	rddreg [dreg:$0x6]  }
0x6d: {  	[tilespmem:s9], [sflag:$0x1] =	stream.indirect.gather [hbm4b:s4+s5], $0x1, s8, s5, $0xb8;
	[tilespmem:$0x1000] =	vst v63  }
0x6e: {  	s10 =	rddreg [dreg:$0x8]  }
0x6f: {  	[tilespmem:s10], [sflag:$0x1] =	stream.indirect.gather [hbm4b:s4+s5], $0x1, s7, s5, $0xb8;
	[tilespmem:$0x1000] =	vst v63  }
0x70: {  	s8 =	rddreg [dreg:$0xa]  }
0x71: {  	[tilespmem:s8], [sflag:$0x1] =	stream.indirect.gather [hbm4b:s4+s5], $0x1, s1, s5, $0xb8;
	[tilespmem:$0x1000] =	vst v63  }
0x72: {  	s9 =	rddreg [dreg:$0xb];
	s10 =	simm.s32 $0xA00  }
0x73: {  	[tilespmem:s10], [sflag:$0x1] =	stream.indirect.gather [hbm4b:s4+s5], $0x1, s9, s5, $0xb8;
	[tilespmem:$0x1000] =	vst v63  }
0x74: {  	s7 =	simm.s32 $0x280;
	s8 =	simm.s32 $0xA80  }
0x75: {  	[tilespmem:s8], [sflag:$0x1] =	stream.indirect.gather [hbm4b:s4+s5], $0x1, s7, s5, $0xb8;
	[tilespmem:$0x1000] =	vst v63  }
0x76: {  	s9 =	simm.s32 $0x300  }
0x77: {  	[tilespmem:s11], [sflag:$0x1] =	stream.indirect.gather [hbm4b:s4+s5], $0x1, s9, s5, $0xb8;
	[tilespmem:$0x1000] =	vst v63  }
0x78: {  	_ = 	snop  }
0x79: {  	[tilespmem:s13], [sflag:$0x1] =	stream.indirect.gather [hbm4b:s4+s5], $0x1, s12, s5, $0xb8;
	[tilespmem:$0x1000] =	vst v63  }
0x7a: {  	_ = 	snop  }
0x7b: {  	[tilespmem:s15], [sflag:$0x1] =	stream.indirect.gather [hbm4b:s4+s5], $0x1, s14, s5, $0xb8;
	[tilespmem:$0x1000] =	vst v63  }
0x7c: {  	_ = 	snop  }
0x7d: {  	[tilespmem:s17], [sflag:$0x1] =	stream.indirect.gather [hbm4b:s4+s5], $0x1, s16, s5, $0xb8;
	[tilespmem:$0x1000] =	vst v63  }
0x7e: {  	_ = 	snop  }
0x7f: {  	[tilespmem:s19], [sflag:$0x1] =	stream.indirect.gather [hbm4b:s4+s5], $0x1, s18, s5, $0xb8;
	[tilespmem:$0x1000] =	vst v63  }
0x80: {  	_ = 	snop  }
0x81: {  	[tilespmem:s21], [sflag:$0x1] =	stream.indirect.gather [hbm4b:s4+s5], $0x1, s20, s5, $0xb8;
	[tilespmem:$0x1000] =	vst v63  }
0x82: {  	_ = 	snop  }
0x83: {  	[tilespmem:s23], [sflag:$0x1] =	stream.indirect.gather [hbm4b:s4+s5], $0x1, s22, s5, $0xb8;
	[tilespmem:$0x1000] =	vst v63  }
0x84: {  	_ = 	snop  }
0x85: {  	[tilespmem:s25], [sflag:$0x1] =	stream.indirect.gather [hbm4b:s4+s5], $0x1, s24, s5, $0xb8;
	[tilespmem:$0x1000] =	vst v63  }
0x86: {  	_ = 	snop  }
0x87: {  	[tilespmem:s28], [sflag:$0x1] =	stream.indirect.gather [hbm4b:s4+s5], $0x1, s26, s5, $0xb8;
	[tilespmem:$0x1000] =	vst v63  }
0x88: {  	_ = 	snop  }
0x89: {  	[tilespmem:s30], [sflag:$0x1] =	stream.indirect.gather [hbm4b:s4+s5], $0x1, s29, s5, $0xb8;
	[tilespmem:$0x1000] =	vst v63  }
0x8a: {  	_ =	swait.ge [sflag:s31], $0x64  }
0x8b: {  	[sflag:s31] =	ssyncset.done $0x0  }
0x8c: {  	[sflag:s31] =	ssyncadd.s32 $0xFFFFFF9C  }
0x8d: {  	_ =	swait.ge [sflag:s31], $0x64  }
0x8e: {  	[sflag:s31] =	ssyncset.done $0x0  }
0x8f: {  	[sflag:s31] =	ssyncadd.s32 $0xFFFFFF9C  }
0x90: {  	_ =	swait.ge [sflag:s31], $0x64  }
0x91: {  	[sflag:s31] =	ssyncset.done $0x0  }
0x92: {  	[sflag:s31] =	ssyncadd.s32 $0xFFFFFF9C  }
0x93: {  	_ =	swait.ge [sflag:s31], $0x64  }
0x94: {  	[sflag:s31] =	ssyncset.done $0x0  }
0x95: {  	[sflag:s31] =	ssyncadd.s32 $0xFFFFFF9C  }
0x96: {  	_ =	swait.ge [sflag:s31], $0x64  }
0x97: {  	[sflag:s31] =	ssyncset.done $0x0  }
0x98: {  	[sflag:s31] =	ssyncadd.s32 $0xFFFFFF9C  }
0x99: {  	_ =	swait.ge [sflag:s31], $0x64  }
0x9a: {  	[sflag:s31] =	ssyncset.done $0x0  }
0x9b: {  	[sflag:s31] =	ssyncadd.s32 $0xFFFFFF9C  }
0x9c: {  	_ =	swait.ge [sflag:s31], $0x64  }
0x9d: {  	[sflag:s31] =	ssyncset.done $0x0  }
0x9e: {  	[sflag:s31] =	ssyncadd.s32 $0xFFFFFF9C  }
0x9f: {  	_ =	swait.ge [sflag:s31], $0x64  }
0xa0: {  	[sflag:s31] =	ssyncset.done $0x0  }
0xa1: {  	[sflag:s31] =	ssyncadd.s32 $0xFFFFFF9C  }
0xa2: {  	_ =	swait.ge [sflag:s31], $0x64  }
0xa3: {  	[sflag:s31] =	ssyncset.done $0x0  }
0xa4: {  	[sflag:s31] =	ssyncadd.s32 $0xFFFFFF9C  }
0xa5: {  	_ =	swait.ge [sflag:s31], $0x64  }
0xa6: {  	[sflag:s31] =	ssyncset.done $0x0  }
0xa7: {  	[sflag:s31] =	ssyncadd.s32 $0xFFFFFF9C  }
0xa8: {  	_ =	swait.ge [sflag:s31], $0x64  }
0xa9: {  	[sflag:s31] =	ssyncset.done $0x0  }
0xaa: {  	[sflag:s31] =	ssyncadd.s32 $0xFFFFFF9C  }
0xab: {  	_ =	swait.ge [sflag:s31], $0x64  }
0xac: {  	[sflag:s31] =	ssyncset.done $0x0  }
0xad: {  	[sflag:s31] =	ssyncadd.s32 $0xFFFFFF9C  }
0xae: {  	_ =	swait.ge [sflag:s31], $0x64  }
0xaf: {  	[sflag:s31] =	ssyncset.done $0x0  }
0xb0: {  	[sflag:s31] =	ssyncadd.s32 $0xFFFFFF9C  }
0xb1: {  	_ =	swait.ge [sflag:s31], $0x64  }
0xb2: {  	[sflag:s31] =	ssyncset.done $0x0  }
0xb3: {  	[sflag:s31] =	ssyncadd.s32 $0xFFFFFF9C  }
0xb4: {  	_ =	swait.ge [sflag:s31], $0x64  }
0xb5: {  	p0 =	sne.s32 s0, $0x1;
	[sflag:s31] =	ssyncset.done $0x0  }
.Ltmp1:
0xb6: {  	[sflag:s31] =	ssyncadd.s32 $0xFFFFFF9C;
	(pc) =	sbr.rel @p0 .LBB2_1-.Ltmp1, $4  }
0xb7: {  	_ =	swait.ge [sflag:s31], $0x64  }
0xb8: {  	[sflag:s31] =	ssyncset.done $0x0  }
0xb9: {  	s0 =	sadd.s32 $0xFFFFFFFF, s0;
	s10 =	rddreg [dreg:$0x4];
	[sflag:s31] =	ssyncadd.s32 $0xFFFFFF9C  }
0xba: {  	[hbm4b:s10+s2] =	stream.linear.scatter [tilespmem:s6], [sflag:$0x2], $0x800, $0x38;
	[tilespmem:$0x1000] =	vst v63  }
.LBB2_2:
0xbb: {  	_ =	swait.ge [sflag:s3], $0x800  }
0xbc: {  	[sflag:s3] =	ssyncset.done $0x0  }
0xbd: {  	[sflag:s3] =	ssyncadd.s32 $0xFFFFF800  }
0xbe: {  	_ =	sfence.sel $0x180000  }
0xbf: {  	[bflag:$0x0] =	sbarrier.arrive $0xFFFF  }
0xc0: {  	_ =	strace $0x90000047  }
0xc1: {  	s0 =	stileid.u32;
	[bflag:$0x2] =	sbarrier.arrive $0xFFFF  }
0xc2: {  	p0 =	sne.s32 s0, $0x0;
	s0 =	rddreg [dreg:$0x2]  }
0xc3: {  	s0 =	sadd.s32 @!p0 $0x100000, s0  }
0xc4: {  	[sflag:s0] =	ssyncadd.tile.s32 @!p0 $0x1;
	_ =	shalt  }
.Lfunc_end2:
_tile_overlayer_lowered:
.L_overlay_start_2:
0xc5: {  	(tag) =	ssettag $0x2  }
0xc6: {  	s0 =	rddreg [dreg:$0x0];
	s2 =	stileid.u32  }
0xc7: {  	s1 =	rddreg [dreg:$0x1];
	p0 =	sne.s32 s2, $0x0  }
0xc8: {  	s3 =	rddreg [dreg:$0x2];
	[bflag:$0x3] =	sbarrier.arrive $0xFFFF;
	s2 =	simm.s32 @!p0 $0x1C02  }
0xc9: {  	[timem:s3], [sflag:s2] =	dma.local @!p0 [hbm:s0], s1  }
0xca: {  	s0 =	simm.s32 @!p0 $0x2  }
0xcb: {  	_ =	swait.ge @!p0 [sflag:s0], s1  }
0xcc: {  	s1 =	ssub.s32 @!p0 $0x0, s1;
	[sflag:s0] =	ssyncset.done @!p0 $0x0  }
0xcd: {  	[sflag:s0] =	ssyncadd.s32 @!p0 s1  }
0xce: {  	[bflag:$0x3] =	sbarrier.arrive $0xFFFF  }
0xcf: {  	_ =	shalt  }

// kernel: kernel.9.cloned.1.call-start
scs
__scs_entry_jumppad:
0x0: {  	(pc) =	sbr.rel $0x88, $3  }
0x1: {  	(tag) =	ssettag $0x0;
	lr =	simm.s32 $0x1  }
0x2: {  	[smem:$0x3F9C] =	sst lr;
	_ =	strace $0xD0000000  }
0x3: {  	_ = 	snop  }
0x4: {  	_ = 	snop  }
0x5: {  	_ = 	snop  }
0x6: {  	_ = 	snop  }
0x7: {  	_ = 	snop  }
__scs_overlays_trampoline_lowered:
0x8: {  	[smem:$0x3FAB] =	sst s0  }
0x9: {  	[smem:$0x3FAC] =	sst s1  }
0xa: {  	[smem:$0x3FAD] =	sst s2  }
0xb: {  	[smem:$0x3FAE] =	sst s3  }
0xc: {  	[smem:$0x3FAF] =	sst s4  }
0xd: {  	[smem:$0x3FB0] =	sst s5  }
0xe: {  	[smem:$0x3FB1] =	sst s6  }
0xf: {  	[smem:$0x3FB2] =	sst s7  }
0x10: {  	[smem:$0x3FB3] =	sst s8  }
0x11: {  	[smem:$0x3FB4] =	sst s9;
	s0 =	simm.s32 @!p0 $0x0  }
0x12: {  	s1 =	sld [smem:$0x3F9A];
	s0 =	simm.s32 @p0 $0x1  }
0x13: {  	[smem:$0x3FB5] =	sst s0;
	s0 =	simm.s32 @!p1 $0x0  }
0x14: {  	s2 =	sld [smem:$0x3F99];
	s0 =	simm.s32 @p1 $0x1  }
0x15: {  	[smem:$0x3FB6] =	sst s0;
	s0 =	simm.s32 @!p2 $0x0  }
0x16: {  	s3 =	sld [smem:$0x3FDB];
	s0 =	simm.s32 @p2 $0x1  }
0x17: {  	s4 =	simm.s32 $0x1BF5;
	[smem:$0x3FB8] =	sst s0  }
0x18: {  	s0 =	sld [smem:$0x3F9B];
	_ =	swait.ge [sflag:s4], $0x0  }
0x19: {  	s7 =	sld [smem:$0x3F9C]  }
0x1a: {  	s8 =	sadd.s32 $0xFFFFE003, lr  }
0x1b: {  	s9 =	sadd.s32 $0xFFFFFEF7, lr;
	s5 =	simm.s32 $0xFFFFFFFF;
	p2 =	slt.u32 s8, $0xFFFFF086  }
0x1c: {  	p1 =	slt.u32 s9, $0xF7A;
	s5 =	simm.s32 @!p2 $0x0  }
0x1d: {  	s5 =	simm.s32 @p1 $0x1;
	p0 =	seq.s32 s7, s2  }
0x1e: {  	s7 =	smul.u32 @!p0 $0xF7A, s2;
	p2 =	seq.s32 @!p0 s5, $0x0  }
0x1f: {  	s9 =	smul.u32 $0xF7A, s1;
	s8 =	simm.s32 @!p0 $0x1BF5;
	p2 =	por !p2, p0  }
0x20: {  	[sflag:s8] =	ssyncset.s32 @!p0 $0xFFFFF086;
	s6 =	sadd.s32 @!p0 s3, s7;
	s7 =	simm.s32 @!p0 $0x108  }
0x21: {  	s3 =	sadd.s32 s3, s9;
	s6 =	sadd.s32 @!p0 $0x88, s6;
	s7 =	simm.s32 @p2 $0x1082  }
0x22: {  	[simem:s7], [sflag:s8] =	dma.local @!p0 [hbm:s6], $0xF7A  }
0x23: {  	s9 =	sor.u32 $0xD0000000, s2;
	s6 =	simm.s32 $0x108;
	_ =	swait.ge @!p0 [sflag:s8], $0x0  }
0x24: {  	s3 =	sadd.s32 $0x88, s3;
	s6 =	simm.s32 @!p1 $0x1082;
	[sflag:s4] =	ssyncset.s32 $0xFFFFF086  }
0x25: {  	[simem:s6], [sflag:s4] =	dma.local [hbm:s3], $0xF7A  }
0x26: {  	[smem:$0x3F9C] =	sst s1;
	(tag) =	ssettag s2;
	_ =	strace s9  }
0x27: {  	s1 =	sld [smem:$0x3FAC]  }
0x28: {  	s2 =	sld [smem:$0x3FAD]  }
0x29: {  	s4 =	sld [smem:$0x3FAF]  }
0x2a: {  	p0 =	seq.s32 s5, $0x0;
	s5 =	sld [smem:$0x3FB0]  }
0x2b: {  	s6 =	sld [smem:$0x3FB1]  }
0x2c: {  	s7 =	sld [smem:$0x3FB2]  }
0x2d: {  	s3 =	simm.s32 $0x108;
	s8 =	sld [smem:$0x3FB3]  }
0x2e: {  	s3 =	simm.s32 @!p0 $0x1082;
	s9 =	sld [smem:$0x3FB4]  }
0x2f: {  	lr =	sadd.s32 s0, s3;
	s0 =	sld [smem:$0x3FAB]  }
0x30: {  	s3 =	sld [smem:$0x3FAE]  }
0x31: {  	[smem:$0x3FB7] =	sst s10  }
0x32: {  	s10 =	sld [smem:$0x3FB5];
	_ =	sdelay $0x3  }
0x33: {  	p0 =	seq.s32 s10, $0x1;
	s10 =	sld [smem:$0x3FB7];
	_ =	sdelay $0x3  }
0x34: {  	[smem:$0x3FB7] =	sst s10  }
0x35: {  	s10 =	sld [smem:$0x3FB6];
	_ =	sdelay $0x3  }
0x36: {  	p1 =	seq.s32 s10, $0x1;
	s10 =	sld [smem:$0x3FB7];
	_ =	sdelay $0x3  }
0x37: {  	[smem:$0x3FB7] =	sst s10  }
0x38: {  	s10 =	sld [smem:$0x3FB8]  }
0x39: {  	_ = 	snop;
	(pc) =	sbr.ind lr, $3  }
0x3a: {  	_ = 	snop  }
0x3b: {  	_ = 	snop  }
0x3c: {  	p2 =	seq.s32 s10, $0x1;
	s10 =	sld [smem:$0x3FB7]  }
0x3d: {  	_ =	shalt  }
0x3e: {  	_ =	shalt  }
0x3f: {  	_ =	shalt  }
0x40: {  	_ =	shalt  }
0x41: {  	_ =	shalt  }
0x42: {  	_ =	shalt  }
0x43: {  	_ =	shalt  }
0x44: {  	_ =	shalt  }
0x45: {  	_ =	shalt  }
0x46: {  	_ =	shalt  }
0x47: {  	_ =	shalt  }
0x48: {  	_ =	shalt  }
0x49: {  	_ =	shalt  }
0x4a: {  	_ =	shalt  }
0x4b: {  	_ =	shalt  }
0x4c: {  	_ =	shalt  }
0x4d: {  	_ =	shalt  }
0x4e: {  	_ =	shalt  }
0x4f: {  	_ =	shalt  }
0x50: {  	_ =	shalt  }
0x51: {  	_ =	shalt  }
0x52: {  	_ =	shalt  }
0x53: {  	_ =	shalt  }
0x54: {  	_ =	shalt  }
0x55: {  	_ =	shalt  }
0x56: {  	_ =	shalt  }
0x57: {  	_ =	shalt  }
0x58: {  	_ =	shalt  }
0x59: {  	_ =	shalt  }
0x5a: {  	_ =	shalt  }
0x5b: {  	_ =	shalt  }
0x5c: {  	_ =	shalt  }
0x5d: {  	_ =	shalt  }
0x5e: {  	_ =	shalt  }
0x5f: {  	_ =	shalt  }
0x60: {  	_ =	shalt  }
0x61: {  	_ =	shalt  }
0x62: {  	_ =	shalt  }
0x63: {  	_ =	shalt  }
0x64: {  	_ =	shalt  }
0x65: {  	_ =	shalt  }
0x66: {  	_ =	shalt  }
0x67: {  	_ =	shalt  }
0x68: {  	_ =	shalt  }
0x69: {  	_ =	shalt  }
0x6a: {  	_ =	shalt  }
0x6b: {  	_ =	shalt  }
0x6c: {  	_ =	shalt  }
0x6d: {  	_ =	shalt  }
0x6e: {  	_ =	shalt  }
0x6f: {  	_ =	shalt  }
0x70: {  	_ =	shalt  }
0x71: {  	_ =	shalt  }
0x72: {  	_ =	shalt  }
0x73: {  	_ =	shalt  }
0x74: {  	_ =	shalt  }
0x75: {  	_ =	shalt  }
0x76: {  	_ =	shalt  }
0x77: {  	_ =	shalt  }
0x78: {  	_ =	shalt  }
0x79: {  	_ =	shalt  }
0x7a: {  	_ =	shalt  }
0x7b: {  	_ =	shalt  }
0x7c: {  	_ =	shalt  }
0x7d: {  	_ =	shalt  }
0x7e: {  	_ =	shalt  }
0x7f: {  	_ =	shalt  }
0x80: {  	_ =	shalt  }
0x81: {  	_ =	shalt  }
0x82: {  	_ =	shalt  }
0x83: {  	_ =	shalt  }
0x84: {  	_ =	shalt  }
0x85: {  	_ =	shalt  }
0x86: {  	_ =	shalt  }
0x87: {  	_ =	shalt  }
.Lfunc_end0:
.L_simem_size_0:
called_computation.1_lowered:
.L_overlay_start_0:
0x88: {  	s2 =	sld [smem:$0x3FD9]  }
0x89: {  	s3 =	sld [smem:$0x3FFE];
	_ =	sdelay $0x1  }
0x8a: {  	s1 =	srdreg.scid  }
0x8b: {  	s0 =	sand.u32 $0x1, s1  }
0x8c: {  	s14 =	sshll.u32 s0, $0xA;
	s2 =	sadd.s32 s3, s2  }
0x8d: {  	s2 =	sadd.s32 s2, s14  }
0x8e: {  	[smem:$0x3FC3] =	sst s2  }
0x8f: {  	_ = 	snop  }
0x90: {  	s2 =	sld [smem:$0x3FD0];
	_ =	sdelay $0x2  }
0x91: {  	s15 =	simm.s32 $0xA;
	s4 =	simm.s32 $0x10  }
0x92: {  	[smem:s4], [sflag:s15] =	dma.local [hbm:s2], $0x1  }
0x93: {  	_ =	swait.eq [sflag:s15], $0x1  }
0x94: {  	[sflag:s15] =	ssyncset.done $0x0  }
0x95: {  	s16 =	sld [smem:$0x10];
	[sflag:s15] =	ssyncadd.s32 $0xFFFFFFFF  }
0x96: {  	s17 =	sld [smem:$0x11];
	(tm) =	ssettm $0x1  }
0x97: {  	s18 =	sld [smem:$0x3FFB];
	_ =	sdelay $0x3  }
0x98: {  	_ =	strace s18  }
0x99: {  	s4 =	sld [smem:$0x3FFC];
	_ =	sdelay $0x3  }
0x9a: {  	_ =	strace s4  }
0x9b: {  	s4 =	sld [smem:$0x3FFD];
	_ =	sdelay $0x3  }
0x9c: {  	_ =	strace s4  }
0x9d: {  	_ =	strace $0x8FFFFFFF  }
0x9e: {  	s19 =	sld [smem:$0x3FDB];
	_ =	sdelay $0x1  }
0x9f: {  	s5 =	simm.s32 $_scs_section_size  }
0xa0: {  	s6 =	simm.s32 $_size__tile_overlayer_lowered;
	s7 =	simm.s32 $_tile_overlayer_lowered  }
0xa1: {  	s22 =	simm.s32 $0x1BFF;
	s21 =	sshll.u32 s7, $0x1;
	s4 =	sadd.s32 s5, s19  }
0xa2: {  	s8 =	simm.s32 $0x0;
	s20 =	sshll.u32 s6, $0x1;
	s6 =	sadd.s32 s21, s4  }
0xa3: {  	[timem:s8], [sflag:s22] =	dma.local [hbm:s6], s20  }
0xa4: {  	_ =	swait.ge [sflag:s22], s20  }
0xa5: {  	s5 =	ssub.s32 $0x0, s20;
	[sflag:s22] =	ssyncset.done $0x0  }
0xa6: {  	[sflag:s22] =	ssyncadd.s32 s5;
	_ =	sdelay $0x1  }
0xa7: {  	s23 =	simm.s32 $0x1B8B  }
0xa8: {  	_ =	swait.ge [sflag:s23], $0x1  }
0xa9: {  	[sflag:s23] =	ssyncset.done $0x0  }
0xaa: {  	s25 =	simm.s32 $0x1B8E;
	s24 =	sld [smem:$0x3FFE];
	[sflag:s23] =	ssyncadd.s32 $0xFFFFFFFF  }
0xab: {  	s26 =	simm.s32 $execute0_lowered;
	[smem:$0x3FD2] =	sst s25  }
0xac: {  	s6 =	sshll.u32 s26, $0x1;
	_ =	strace $0x80000049;
	[dreg:$0x1] =	wrdreg $0xFFFFFFFF  }
0xad: {  	s28 =	simm.s32 $_size_execute0_lowered;
	s4 =	sadd.s32 s4, s6;
	[dreg:$0x0] =	wrdreg $0x0  }
0xae: {  	s6 =	sshll.u32 s28, $0x1;
	[dreg:$0x2] =	wrdreg s4  }
0xaf: {  	[dreg:$0x3] =	wrdreg s6  }
0xb0: {  	[dreg:$0x4] =	wrdreg $0xC0  }
0xb1: {  	_ =	task [dreg:s8], $0x5FFFF  }
0xb2: {  	[dreg:$0x1] =	wrdreg $0xFFFFFFFF  }
0xb3: {  	[dreg:$0x0] =	wrdreg $0x60  }
0xb4: {  	[dreg:$0x2] =	wrdreg s17  }
0xb5: {  	[dreg:$0x3] =	wrdreg s16  }
0xb6: {  	[dreg:$0x4] =	wrdreg s24  }
0xb7: {  	[dreg:$0x5] =	wrdreg $0x9  }
0xb8: {  	_ =	task.clear_ibuf [dreg:s8], $0x6FFFF;
	_ =	strace $0x90000049  }
0xb9: {  	s29 =	simm.s32 $0x9;
	_ =	strace $0x8000004B  }
0xba: {  	_ =	swait.ge [sflag:s29], $0x1  }
0xbb: {  	[sflag:s29] =	ssyncadd.s32 $0xFFFFFFFF  }
0xbc: {  	_ =	strace $0x9000004B  }
0xbd: {  	_ =	sfence  }
0xbe: {  	s30 =	sld [smem:$0x0];
	_ =	sdelay $0x2  }
0xbf: {  	s31 =	sshll.u32 s1, $0xD;
	s1 =	sshrl.u32 s1, $0x2  }
0xc0: {  	s3 =	sand.u32 $0x4000, s31;
	s1 =	sadd.s32 s1, s30  }
0xc1: {  	s0 =	sor.u32 s3, s0;
	s1 =	sshll.u32 s1, $0x11  }
0xc2: {  	s0 =	sor.u32 s1, s0  }
0xc3: {  	s0 =	sadd.s32 $0x8F2B, s0  }
0xc4: {  	[sflag:s0] =	ssyncadd.remote.s32 $0x1  }
0xc5: {  	_ =	sfence.sel $0xFFFF  }
0xc6: {  	[dreg:$0x0] =	wrdreg $0xFFFFFFFF;
	(pc) =	sbr.abs _section_cstart, $3  }
0xc7: {  	[dreg:$0x1] =	wrdreg $0xFFFFFFFF  }
0xc8: {  	_ =	task.clear_ibuf [dreg:s8], $0x2FFFF;
	_ =	strace $0x9FFFFFFF  }
0xc9: {  	(tm) =	ssettm $0x7FFFFFFF  }
tec
execute0_lowered:
.L_overlay_start_1:
0x0: {  	(tag) =	ssettag $0x1  }
0x1: {  	s3 =	rddreg [dreg:$0x0]  }
0x2: {  	s4 =	rddreg [dreg:$0x1]  }
0x3: {  	s5 =	rddreg [dreg:$0x2];
	s2 =	simm.s32 $0x0  }
0x4: {  	s0 =	srdreg.scid;
	s12 =	simm.s32 $0x80;
	[smem:$0x7FF] =	sst s2  }
0x5: {  	s13 =	simm.s32 $0x880;
	_ =	strace $0x8000004A;
	[dreg:$0x6] =	wrdreg s12  }
0x6: {  	s1 =	stileid.u32;
	s14 =	simm.s32 $0x100;
	[dreg:$0x7] =	wrdreg s13  }
0x7: {  	s15 =	simm.s32 $0x900;
	s16 =	simm.s32 $0x180;
	[dreg:$0x8] =	wrdreg s14  }
0x8: {  	s17 =	simm.s32 $0x980;
	s0 =	sand.u32 $0x1, s0;
	[dreg:$0x9] =	wrdreg s15  }
0x9: {  	s6 =	sshll.u32 s1, $0x9;
	s7 =	sshll.u32 s0, $0x8;
	[dreg:$0xa] =	wrdreg s16  }
0xa: {  	s19 =	simm.s32 $0x200;
	[dreg:$0xb] =	wrdreg s17;
	s6 =	sor.u32 s7, s6  }
0xb: {  	[dreg:$0xc] =	wrdreg s19;
	s3 =	sadd.s32 s3, s6  }
0xc: {  	s11 =	sadd.s32 s4, s6;
	[dreg:$0x4] =	wrdreg s3  }
0xd: {  	[dreg:$0x5] =	wrdreg s11  }
0xe: {  	s3 =	simm.s32 $0x2;
	s18 =	rddreg [dreg:$0x4]  }
0xf: {  	[tilespmem:s2], [sflag:$0x2] =	stream.linear.gather [hbm4b:s18+s2], $0x800, $0x38;
	[tilespmem:$0x1000] =	vst v63  }
0x10: {  	_ =	swait.ge [sflag:s3], $0x800  }
0x11: {  	[sflag:s3] =	ssyncset.done $0x0  }
0x12: {  	s4 =	simm.s32 $0x800;
	s20 =	rddreg [dreg:$0x5];
	[sflag:s3] =	ssyncadd.s32 $0xFFFFF800  }
0x13: {  	[tilespmem:s4], [sflag:$0x2] =	stream.linear.gather [hbm4b:s20+s2], $0x800, $0x38;
	[tilespmem:$0x1000] =	vst v63  }
0x14: {  	_ =	swait.ge [sflag:s3], $0x800  }
0x15: {  	s21 =	rddreg [dreg:$0xa]  }
0x16: {  	s5 =	sadd.s32 $0x310800, s5;
	s8 =	rddreg [dreg:$0x8];
	[sflag:s3] =	ssyncset.done $0x0  }
0x17: {  	s6 =	simm.s32 $0x64;
	s9 =	rddreg [dreg:$0x6];
	[sflag:s3] =	ssyncadd.s32 $0xFFFFF800  }
0x18: {  	[hbm4b:s5+s6] =	stream.indirect.scatter [tilespmem:s4], [sflag:$0x1], $0x1, s2, s6, $0xb8;
	[tilespmem:$0x1000] =	vst v63  }
0x19: {  	s10 =	rddreg [dreg:$0x7]  }
0x1a: {  	[hbm4b:s5+s6] =	stream.indirect.scatter [tilespmem:s10], [sflag:$0x1], $0x1, s9, s6, $0xb8;
	[tilespmem:$0x1000] =	vst v63  }
0x1b: {  	s11 =	rddreg [dreg:$0x9]  }
0x1c: {  	[hbm4b:s5+s6] =	stream.indirect.scatter [tilespmem:s11], [sflag:$0x1], $0x1, s8, s6, $0xb8;
	[tilespmem:$0x1000] =	vst v63  }
0x1d: {  	s22 =	rddreg [dreg:$0xb]  }
0x1e: {  	[hbm4b:s5+s6] =	stream.indirect.scatter [tilespmem:s22], [sflag:$0x1], $0x1, s21, s6, $0xb8;
	[tilespmem:$0x1000] =	vst v63  }
0x1f: {  	s24 =	simm.s32 $0xA00;
	s23 =	rddreg [dreg:$0xc]  }
0x20: {  	[hbm4b:s5+s6] =	stream.indirect.scatter [tilespmem:s24], [sflag:$0x1], $0x1, s23, s6, $0xb8;
	[tilespmem:$0x1000] =	vst v63  }
0x21: {  	s25 =	simm.s32 $0x280;
	s26 =	simm.s32 $0xA80  }
0x22: {  	[hbm4b:s5+s6] =	stream.indirect.scatter [tilespmem:s26], [sflag:$0x1], $0x1, s25, s6, $0xb8;
	[tilespmem:$0x1000] =	vst v63  }
0x23: {  	s9 =	simm.s32 $0xB00;
	s8 =	simm.s32 $0x300  }
0x24: {  	[hbm4b:s5+s6] =	stream.indirect.scatter [tilespmem:s9], [sflag:$0x1], $0x1, s8, s6, $0xb8;
	[tilespmem:$0x1000] =	vst v63  }
0x25: {  	s12 =	simm.s32 $0x380;
	s13 =	simm.s32 $0xB80  }
0x26: {  	[hbm4b:s5+s6] =	stream.indirect.scatter [tilespmem:s13], [sflag:$0x1], $0x1, s12, s6, $0xb8;
	[tilespmem:$0x1000] =	vst v63  }
0x27: {  	s14 =	simm.s32 $0x400;
	s15 =	simm.s32 $0xC00  }
0x28: {  	[hbm4b:s5+s6] =	stream.indirect.scatter [tilespmem:s15], [sflag:$0x1], $0x1, s14, s6, $0xb8;
	[tilespmem:$0x1000] =	vst v63  }
0x29: {  	s16 =	simm.s32 $0x480;
	s17 =	simm.s32 $0xC80  }
0x2a: {  	[hbm4b:s5+s6] =	stream.indirect.scatter [tilespmem:s17], [sflag:$0x1], $0x1, s16, s6, $0xb8;
	[tilespmem:$0x1000] =	vst v63  }
0x2b: {  	s19 =	simm.s32 $0xD00;
	s18 =	simm.s32 $0x500  }
0x2c: {  	[hbm4b:s5+s6] =	stream.indirect.scatter [tilespmem:s19], [sflag:$0x1], $0x1, s18, s6, $0xb8;
	[tilespmem:$0x1000] =	vst v63  }
0x2d: {  	s20 =	simm.s32 $0x580;
	s21 =	simm.s32 $0xD80  }
0x2e: {  	[hbm4b:s5+s6] =	stream.indirect.scatter [tilespmem:s21], [sflag:$0x1], $0x1, s20, s6, $0xb8;
	[tilespmem:$0x1000] =	vst v63  }
0x2f: {  	s22 =	simm.s32 $0x600;
	s23 =	simm.s32 $0xE00  }
0x30: {  	[hbm4b:s5+s6] =	stream.indirect.scatter [tilespmem:s23], [sflag:$0x1], $0x1, s22, s6, $0xb8;
	[tilespmem:$0x1000] =	vst v63  }
0x31: {  	s24 =	simm.s32 $0x680;
	s25 =	simm.s32 $0xE80  }
0x32: {  	[hbm4b:s5+s6] =	stream.indirect.scatter [tilespmem:s25], [sflag:$0x1], $0x1, s24, s6, $0xb8;
	[tilespmem:$0x1000] =	vst v63  }
0x33: {  	s28 =	simm.s32 $0xF00;
	s26 =	simm.s32 $0x700  }
0x34: {  	[hbm4b:s5+s6] =	stream.indirect.scatter [tilespmem:s28], [sflag:$0x1], $0x1, s26, s6, $0xb8;
	[tilespmem:$0x1000] =	vst v63  }
0x35: {  	s30 =	simm.s32 $0x780;
	s31 =	simm.s32 $0xF80;
	s29 =	simm.s32 $0x1  }
0x36: {  	[hbm4b:s5+s6] =	stream.indirect.scatter [tilespmem:s31], [sflag:$0x1], $0x1, s30, s6, $0xb8;
	[tilespmem:$0x1000] =	vst v63  }
0x37: {  	_ =	swait.ge [sflag:s29], $0x64  }
0x38: {  	[sflag:s29] =	ssyncset.done $0x0  }
0x39: {  	[sflag:s29] =	ssyncadd.s32 $0xFFFFFF9C  }
0x3a: {  	_ =	swait.ge [sflag:s29], $0x64  }
0x3b: {  	[sflag:s29] =	ssyncset.done $0x0  }
0x3c: {  	[sflag:s29] =	ssyncadd.s32 $0xFFFFFF9C  }
0x3d: {  	_ =	swait.ge [sflag:s29], $0x64  }
0x3e: {  	[sflag:s29] =	ssyncset.done $0x0  }
0x3f: {  	[sflag:s29] =	ssyncadd.s32 $0xFFFFFF9C  }
0x40: {  	_ =	swait.ge [sflag:s29], $0x64  }
0x41: {  	[sflag:s29] =	ssyncset.done $0x0  }
0x42: {  	[sflag:s29] =	ssyncadd.s32 $0xFFFFFF9C  }
0x43: {  	_ =	swait.ge [sflag:s29], $0x64  }
0x44: {  	[sflag:s29] =	ssyncset.done $0x0  }
0x45: {  	[sflag:s29] =	ssyncadd.s32 $0xFFFFFF9C  }
0x46: {  	_ =	swait.ge [sflag:s29], $0x64  }
0x47: {  	[sflag:s29] =	ssyncset.done $0x0  }
0x48: {  	[sflag:s29] =	ssyncadd.s32 $0xFFFFFF9C  }
0x49: {  	_ =	swait.ge [sflag:s29], $0x64  }
0x4a: {  	[sflag:s29] =	ssyncset.done $0x0  }
0x4b: {  	[sflag:s29] =	ssyncadd.s32 $0xFFFFFF9C  }
0x4c: {  	_ =	swait.ge [sflag:s29], $0x64  }
0x4d: {  	[sflag:s29] =	ssyncset.done $0x0  }
0x4e: {  	[sflag:s29] =	ssyncadd.s32 $0xFFFFFF9C  }
0x4f: {  	_ =	swait.ge [sflag:s29], $0x64  }
0x50: {  	[sflag:s29] =	ssyncset.done $0x0  }
0x51: {  	[sflag:s29] =	ssyncadd.s32 $0xFFFFFF9C  }
0x52: {  	_ =	swait.ge [sflag:s29], $0x64  }
0x53: {  	[sflag:s29] =	ssyncset.done $0x0  }
0x54: {  	[sflag:s29] =	ssyncadd.s32 $0xFFFFFF9C  }
0x55: {  	_ =	swait.ge [sflag:s29], $0x64  }
0x56: {  	[sflag:s29] =	ssyncset.done $0x0  }
0x57: {  	[sflag:s29] =	ssyncadd.s32 $0xFFFFFF9C  }
0x58: {  	_ =	swait.ge [sflag:s29], $0x64  }
0x59: {  	[sflag:s29] =	ssyncset.done $0x0  }
0x5a: {  	s0 =	ssub.s32 $0x2, s0;
	[sflag:s29] =	ssyncadd.s32 $0xFFFFFF9C  }
0x5b: {  	s10 =	sshrl.u32 s0, $0x1;
	_ =	swait.ge [sflag:s29], $0x64  }
0x5c: {  	s0 =	ssub.s32 s0, s10;
	[sflag:s29] =	ssyncset.done $0x0  }
0x5d: {  	s0 =	smax.u32 s0, $0x1;
	[sflag:s29] =	ssyncadd.s32 $0xFFFFFF9C  }
0x5e: {  	p0 =	sne.s32 s0, $0x1;
	_ =	swait.ge [sflag:s29], $0x64  }
.Ltmp0:
0x5f: {  	[sflag:s29] =	ssyncset.done $0x0;
	(pc) =	sbr.rel @!p0 .LBB2_2-.Ltmp0, $4  }
0x60: {  	[sflag:s29] =	ssyncadd.s32 $0xFFFFFF9C  }
0x61: {  	_ =	swait.ge [sflag:s29], $0x64  }
0x62: {  	[sflag:s29] =	ssyncset.done $0x0  }
0x63: {  	s11 =	simm.s32 $0xB00;
	s0 =	sadd.s32 $0xFFFFFFFF, s0;
	[sflag:s29] =	ssyncadd.s32 $0xFFFFFF9C  }
.LBB2_1:
0x64: {  	_ =	swait.ge [sflag:s29], $0x64  }
0x65: {  	[sflag:s29] =	ssyncset.done $0x0  }
0x66: {  	s1 =	rddreg [dreg:$0x4];
	[sflag:s29] =	ssyncadd.s32 $0xFFFFFF9C  }
0x67: {  	[tilespmem:s2], [sflag:$0x2] =	stream.linear.gather [hbm4b:s1+s2], $0x800, $0x38;
	[tilespmem:$0x1000] =	vst v63  }
0x68: {  	_ =	swait.ge [sflag:s3], $0x800  }
0x69: {  	[sflag:s3] =	ssyncset.done $0x0  }
0x6a: {  	s8 =	rddreg [dreg:$0x5];
	[sflag:s3] =	ssyncadd.s32 $0xFFFFF800  }
0x6b: {  	[tilespmem:s4], [sflag:$0x2] =	stream.linear.gather [hbm4b:s8+s2], $0x800, $0x38;
	[tilespmem:$0x1000] =	vst v63  }
0x6c: {  	_ =	swait.ge [sflag:s3], $0x800  }
0x6d: {  	s1 =	rddreg [dreg:$0xa]  }
0x6e: {  	[sflag:s3] =	ssyncset.done $0x0;
	s7 =	rddreg [dreg:$0x8]  }
0x6f: {  	s8 =	rddreg [dreg:$0x6];
	[sflag:s3] =	ssyncadd.s32 $0xFFFFF800  }
0x70: {  	[hbm4b:s5+s6] =	stream.indirect.scatter [tilespmem:s4], [sflag:$0x1], $0x1, s2, s6, $0xb8;
	[tilespmem:$0x1000] =	vst v63  }
0x71: {  	s9 =	rddreg [dreg:$0x7]  }
0x72: {  	[hbm4b:s5+s6] =	stream.indirect.scatter [tilespmem:s9], [sflag:$0x1], $0x1, s8, s6, $0xb8;
	[tilespmem:$0x1000] =	vst v63  }
0x73: {  	s10 =	rddreg [dreg:$0x9]  }
0x74: {  	[hbm4b:s5+s6] =	stream.indirect.scatter [tilespmem:s10], [sflag:$0x1], $0x1, s7, s6, $0xb8;
	[tilespmem:$0x1000] =	vst v63  }
0x75: {  	s8 =	rddreg [dreg:$0xb]  }
0x76: {  	[hbm4b:s5+s6] =	stream.indirect.scatter [tilespmem:s8], [sflag:$0x1], $0x1, s1, s6, $0xb8;
	[tilespmem:$0x1000] =	vst v63  }
0x77: {  	s9 =	rddreg [dreg:$0xc];
	s10 =	simm.s32 $0xA00  }
0x78: {  	[hbm4b:s5+s6] =	stream.indirect.scatter [tilespmem:s10], [sflag:$0x1], $0x1, s9, s6, $0xb8;
	[tilespmem:$0x1000] =	vst v63  }
0x79: {  	s8 =	simm.s32 $0x280;
	s9 =	simm.s32 $0xA80  }
0x7a: {  	[hbm4b:s5+s6] =	stream.indirect.scatter [tilespmem:s9], [sflag:$0x1], $0x1, s8, s6, $0xb8;
	[tilespmem:$0x1000] =	vst v63  }
0x7b: {  	s10 =	simm.s32 $0x300  }
0x7c: {  	[hbm4b:s5+s6] =	stream.indirect.scatter [tilespmem:s11], [sflag:$0x1], $0x1, s10, s6, $0xb8;
	[tilespmem:$0x1000] =	vst v63  }
0x7d: {  	_ = 	snop  }
0x7e: {  	[hbm4b:s5+s6] =	stream.indirect.scatter [tilespmem:s13], [sflag:$0x1], $0x1, s12, s6, $0xb8;
	[tilespmem:$0x1000] =	vst v63  }
0x7f: {  	_ = 	snop  }
0x80: {  	[hbm4b:s5+s6] =	stream.indirect.scatter [tilespmem:s15], [sflag:$0x1], $0x1, s14, s6, $0xb8;
	[tilespmem:$0x1000] =	vst v63  }
0x81: {  	_ = 	snop  }
0x82: {  	[hbm4b:s5+s6] =	stream.indirect.scatter [tilespmem:s17], [sflag:$0x1], $0x1, s16, s6, $0xb8;
	[tilespmem:$0x1000] =	vst v63  }
0x83: {  	_ = 	snop  }
0x84: {  	[hbm4b:s5+s6] =	stream.indirect.scatter [tilespmem:s19], [sflag:$0x1], $0x1, s18, s6, $0xb8;
	[tilespmem:$0x1000] =	vst v63  }
0x85: {  	_ = 	snop  }
0x86: {  	[hbm4b:s5+s6] =	stream.indirect.scatter [tilespmem:s21], [sflag:$0x1], $0x1, s20, s6, $0xb8;
	[tilespmem:$0x1000] =	vst v63  }
0x87: {  	_ = 	snop  }
0x88: {  	[hbm4b:s5+s6] =	stream.indirect.scatter [tilespmem:s23], [sflag:$0x1], $0x1, s22, s6, $0xb8;
	[tilespmem:$0x1000] =	vst v63  }
0x89: {  	_ = 	snop  }
0x8a: {  	[hbm4b:s5+s6] =	stream.indirect.scatter [tilespmem:s25], [sflag:$0x1], $0x1, s24, s6, $0xb8;
	[tilespmem:$0x1000] =	vst v63  }
0x8b: {  	_ = 	snop  }
0x8c: {  	[hbm4b:s5+s6] =	stream.indirect.scatter [tilespmem:s28], [sflag:$0x1], $0x1, s26, s6, $0xb8;
	[tilespmem:$0x1000] =	vst v63  }
0x8d: {  	_ = 	snop  }
0x8e: {  	[hbm4b:s5+s6] =	stream.indirect.scatter [tilespmem:s31], [sflag:$0x1], $0x1, s30, s6, $0xb8;
	[tilespmem:$0x1000] =	vst v63  }
0x8f: {  	_ =	swait.ge [sflag:s29], $0x64  }
0x90: {  	[sflag:s29] =	ssyncset.done $0x0  }
0x91: {  	[sflag:s29] =	ssyncadd.s32 $0xFFFFFF9C  }
0x92: {  	_ =	swait.ge [sflag:s29], $0x64  }
0x93: {  	[sflag:s29] =	ssyncset.done $0x0  }
0x94: {  	[sflag:s29] =	ssyncadd.s32 $0xFFFFFF9C  }
0x95: {  	_ =	swait.ge [sflag:s29], $0x64  }
0x96: {  	[sflag:s29] =	ssyncset.done $0x0  }
0x97: {  	[sflag:s29] =	ssyncadd.s32 $0xFFFFFF9C  }
0x98: {  	_ =	swait.ge [sflag:s29], $0x64  }
0x99: {  	[sflag:s29] =	ssyncset.done $0x0  }
0x9a: {  	[sflag:s29] =	ssyncadd.s32 $0xFFFFFF9C  }
0x9b: {  	_ =	swait.ge [sflag:s29], $0x64  }
0x9c: {  	[sflag:s29] =	ssyncset.done $0x0  }
0x9d: {  	[sflag:s29] =	ssyncadd.s32 $0xFFFFFF9C  }
0x9e: {  	_ =	swait.ge [sflag:s29], $0x64  }
0x9f: {  	[sflag:s29] =	ssyncset.done $0x0  }
0xa0: {  	[sflag:s29] =	ssyncadd.s32 $0xFFFFFF9C  }
0xa1: {  	_ =	swait.ge [sflag:s29], $0x64  }
0xa2: {  	[sflag:s29] =	ssyncset.done $0x0  }
0xa3: {  	[sflag:s29] =	ssyncadd.s32 $0xFFFFFF9C  }
0xa4: {  	_ =	swait.ge [sflag:s29], $0x64  }
0xa5: {  	[sflag:s29] =	ssyncset.done $0x0  }
0xa6: {  	[sflag:s29] =	ssyncadd.s32 $0xFFFFFF9C  }
0xa7: {  	_ =	swait.ge [sflag:s29], $0x64  }
0xa8: {  	[sflag:s29] =	ssyncset.done $0x0  }
0xa9: {  	[sflag:s29] =	ssyncadd.s32 $0xFFFFFF9C  }
0xaa: {  	_ =	swait.ge [sflag:s29], $0x64  }
0xab: {  	[sflag:s29] =	ssyncset.done $0x0  }
0xac: {  	[sflag:s29] =	ssyncadd.s32 $0xFFFFFF9C  }
0xad: {  	_ =	swait.ge [sflag:s29], $0x64  }
0xae: {  	[sflag:s29] =	ssyncset.done $0x0  }
0xaf: {  	[sflag:s29] =	ssyncadd.s32 $0xFFFFFF9C  }
0xb0: {  	_ =	swait.ge [sflag:s29], $0x64  }
0xb1: {  	[sflag:s29] =	ssyncset.done $0x0  }
0xb2: {  	[sflag:s29] =	ssyncadd.s32 $0xFFFFFF9C  }
0xb3: {  	_ =	swait.ge [sflag:s29], $0x64  }
0xb4: {  	[sflag:s29] =	ssyncset.done $0x0  }
0xb5: {  	[sflag:s29] =	ssyncadd.s32 $0xFFFFFF9C  }
0xb6: {  	p0 =	sne.s32 s0, $0x1;
	_ =	swait.ge [sflag:s29], $0x64  }
.Ltmp1:
0xb7: {  	[sflag:s29] =	ssyncset.done $0x0;
	(pc) =	sbr.rel @p0 .LBB2_1-.Ltmp1, $4  }
0xb8: {  	[sflag:s29] =	ssyncadd.s32 $0xFFFFFF9C  }
0xb9: {  	_ =	swait.ge [sflag:s29], $0x64  }
0xba: {  	[sflag:s29] =	ssyncset.done $0x0  }
0xbb: {  	s0 =	sadd.s32 $0xFFFFFFFF, s0;
	[sflag:s29] =	ssyncadd.s32 $0xFFFFFF9C  }
.LBB2_2:
0xbc: {  	_ =	swait.ge [sflag:s29], $0x64  }
0xbd: {  	[sflag:s29] =	ssyncset.done $0x0  }
0xbe: {  	[sflag:s29] =	ssyncadd.s32 $0xFFFFFF9C  }
0xbf: {  	_ =	sfence.sel $0x180000  }
0xc0: {  	[bflag:$0x0] =	sbarrier.arrive $0xFFFF  }
0xc1: {  	_ =	strace $0x9000004A  }
0xc2: {  	s0 =	stileid.u32;
	[bflag:$0x2] =	sbarrier.arrive $0xFFFF  }
0xc3: {  	p0 =	sne.s32 s0, $0x0;
	s0 =	rddreg [dreg:$0x3]  }
0xc4: {  	s0 =	sadd.s32 @!p0 $0x100000, s0  }
0xc5: {  	[sflag:s0] =	ssyncadd.tile.s32 @!p0 $0x1;
	_ =	shalt  }
.Lfunc_end2:
_tile_overlayer_lowered:
.L_overlay_start_2:
0xc6: {  	(tag) =	ssettag $0x2  }
0xc7: {  	s0 =	rddreg [dreg:$0x0];
	s2 =	stileid.u32  }
0xc8: {  	s1 =	rddreg [dreg:$0x1];
	p0 =	sne.s32 s2, $0x0  }
0xc9: {  	s3 =	rddreg [dreg:$0x2];
	[bflag:$0x3] =	sbarrier.arrive $0xFFFF;
	s2 =	simm.s32 @!p0 $0x1C02  }
0xca: {  	[timem:s3], [sflag:s2] =	dma.local @!p0 [hbm:s0], s1  }
0xcb: {  	s0 =	simm.s32 @!p0 $0x2  }
0xcc: {  	_ =	swait.ge @!p0 [sflag:s0], s1  }
0xcd: {  	s1 =	ssub.s32 @!p0 $0x0, s1;
	[sflag:s0] =	ssyncset.done @!p0 $0x0  }
0xce: {  	[sflag:s0] =	ssyncadd.s32 @!p0 s1  }
0xcf: {  	[bflag:$0x3] =	sbarrier.arrive $0xFFFF  }
0xd0: {  	_ =	shalt  }

</sc_bundles>
